<compile_context>
chip_gen: v7x
topology: tpu7x:2x2x1
jax: 0.10.2.dev20260603
libtpu: 0.0.44.dev20260713+nightly
codegen_flags: <defaults>
</compile_context>

<pallas_src>
import functools

import jax
import jax.numpy as jnp
from jax import lax
from jax.experimental import pallas as pl
from jax.experimental.pallas import tpu as pltpu
from jax.experimental.pallas import tpu_sc as plsc


def _reduce0(a, op, keep=8):
    while a.shape[0] > keep:
        h = a.shape[0] // 2
        a = op(a[:h], a[h:])
    return a


def _dist_keys_body(x_ref, keys_ref, flat_ref):
    xb = x_ref[0]
    s = xb.shape[0]
    inf = jnp.float32(jnp.inf)

    g = jax.lax.dot_general(
        xb, xb, (((1,), (1,)), ((), ())),
        preferred_element_type=jnp.float32,
    )
    n = jnp.sum(xb * xb, axis=1)
    d2 = jnp.maximum(n[:, None] + n[None, :] - 2.0 * g, 0.0)
    d = jnp.sqrt(d2)

    sum_n = jnp.sum(n)
    col_g = jnp.sum(_reduce0(g, jnp.add), axis=0, keepdims=True)
    sum_d = jnp.sum(_reduce0(d, jnp.add), axis=0, keepdims=True)
    sum_d2 = sum_n + jnp.float32(s) * n[None, :] - 2.0 * col_g
    rvar = (sum_d2 - sum_d * sum_d * (1.0 / s)) * (1.0 / (s - 1))
    flat = 1.0 / (rvar + 1e-6)
    flat_ref[0] = 1.0 / (1.0 + jnp.exp(flat * -0.1))

    row = jax.lax.broadcasted_iota(jnp.int32, (s, s), 0)
    col = jax.lax.broadcasted_iota(jnp.int32, (s, s), 1)
    keys_ref[0] = jnp.where(
        row == col,
        inf,
        jax.lax.bitcast_convert_type(
            (jax.lax.bitcast_convert_type(d, jnp.int32) & ~jnp.int32(0x1FF))
            | col,
            jnp.float32,
        ),
    )


def _make_sc_topk(r_total, s, rows_per_w):
    mesh = plsc.VectorSubcoreMesh(core_axis_name="c", subcore_axis_name="s")

    @functools.partial(
        pl.kernel,
        mesh=mesh,
        out_type=[jax.ShapeDtypeStruct((r_total,), jnp.float32)] * 2,
        scratch_types=[
            pltpu.VMEM((rows_per_w, s), jnp.float32),
            pltpu.VMEM((rows_per_w,), jnp.float32),
            pltpu.VMEM((rows_per_w,), jnp.float32),
        ],
    )
    def sc_topk(keys_hbm, tree_hbm, cyc_hbm, buf, tbuf, cbuf):
        wid = lax.axis_index("s") * 2 + lax.axis_index("c")
        base = wid * rows_per_w
        pltpu.sync_copy(keys_hbm.at[pl.ds(base, rows_per_w)], buf)
        nchunk = s // 16
        inf = jnp.float32(jnp.inf)

        lanes = lax.iota(jnp.int32, 16)

        dnums = lax.GatherDimensionNumbers(
            offset_dims=(), collapsed_slice_dims=(0,), start_index_map=(0,))

        def shuffle(v, idx):
            return lax.gather(
                v, idx[:, None], dimension_numbers=dnums, slice_sizes=(1,),
                mode=lax.GatherScatterMode.PROMISE_IN_BOUNDS)

        def all_min(v):
            for off in (8, 4, 2, 1):
                v = jnp.minimum(v, shuffle(v, lanes ^ off))
            return v

        def per_group(grp, _):
            def per_row(r2, carry):
                tvec, cvec = carry
                r = grp * 16 + r2
                ms = []
                for rnd in range(4):
                    def chunk_min(c, acc):
                        return jnp.minimum(acc, buf[r, pl.ds(c * 16, 16)])

                    acc = lax.fori_loop(0, nchunk, chunk_min,
                                        jnp.full((16,), inf, jnp.float32))
                    mk = all_min(acc)
                    ms.append(mk)
                    if rnd < 3:
                        def chunk_mask(c, _c):
                            v = buf[r, pl.ds(c * 16, 16)]
                            buf[r, pl.ds(c * 16, 16)] = jnp.where(
                                v == mk, inf, v)
                            return 0

                        lax.fori_loop(0, nchunk, chunk_mask, 0)

                m1, m2, m3, m4 = (
                    lax.bitcast_convert_type(
                        lax.bitcast_convert_type(mk, jnp.int32)
                        & ~jnp.int32(0x1FF),
                        jnp.float32,
                    )
                    for mk in ms
                )
                tree = m4 / jnp.maximum(m1, 1e-6)
                nmean = (m1 + m2 + m3 + m4) * 0.2
                e1, e2, e3, e4 = m1 - nmean, m2 - nmean, m3 - nmean, m4 - nmean
                nvar = (
                    nmean * nmean + e1 * e1 + e2 * e2 + e3 * e3 + e4 * e4
                ) * 0.25
                cyc = 1.0 / (nvar + 1e-6)
                sel = lanes == r2
                return (jnp.where(sel, tree, tvec),
                        jnp.where(sel, cyc, cvec))

            z = jnp.zeros((16,), jnp.float32)
            tvec, cvec = lax.fori_loop(0, 16, per_row, (z, z))
            tbuf[pl.ds(grp * 16, 16)] = 1.0 / (1.0 + jnp.exp(tvec * -0.1))
            cbuf[pl.ds(grp * 16, 16)] = 1.0 / (1.0 + jnp.exp(cvec * -0.1))
            return 0

        lax.fori_loop(0, rows_per_w // 16, per_group, 0)
        pltpu.sync_copy(tbuf, tree_hbm.at[pl.ds(base, rows_per_w)])
        pltpu.sync_copy(cbuf, cyc_hbm.at[pl.ds(base, rows_per_w)])

    return sc_topk


def kernel(x):
    b, s, dmodel = x.shape
    keys, flat = pl.pallas_call(
        _dist_keys_body,
        grid=(b,),
        in_specs=[pl.BlockSpec((1, s, dmodel), lambda i: (i, 0, 0))],
        out_specs=[
            pl.BlockSpec((1, s, s), lambda i: (i, 0, 0)),
            pl.BlockSpec((1, 1, s), lambda i: (i, 0, 0)),
        ],
        out_shape=[
            jax.ShapeDtypeStruct((b, s, s), jnp.float32),
            jax.ShapeDtypeStruct((b, 1, s), jnp.float32),
        ],
    )(x)
    r_total = b * s
    tree, cyc = _make_sc_topk(r_total, s, r_total // 32)(
        keys.reshape(r_total, s))
    return jnp.stack(
        [tree.reshape(b, s), cyc.reshape(b, s), flat[:, 0, :]], axis=-1)

# --- scband reference (transcript-rebuilt; emitter-appended) ---
"""Pipeline reference for scband-geometry-feature-extractor-44727789420739 (READ-ONLY COPY).

The authoritative reference and input builder live on the scoring server;
editing this copy changes nothing except your own understanding.
"""

import jax, jax.numpy as jnp
import numpy as np

D_MODEL = 768
BATCH = 2
SEQ_LEN = 512


def _safe_norm(diff):
    # Faithful to torch.norm(diff, dim=-1) in the forward values; uses the
    # standard where-trick so the gradient at exactly-zero vectors (the
    # self-distance diagonal) is 0 instead of NaN.
    sq = jnp.sum(diff * diff, axis=-1)
    safe_sq = jnp.where(sq > 0, sq, 1.0)
    return jnp.where(sq > 0, jnp.sqrt(safe_sq), 0.0)


def setup_inputs(seed: int = 0) -> dict:
    key = jax.random.key(seed)
    x = jax.random.normal(key, (BATCH, SEQ_LEN, D_MODEL), dtype=jnp.float32)
    return {"x": x}


def reference(x):
    batch, seq_len, d_model = x.shape
    # pairwise differences [B, S, S, d]
    x_expanded = x[:, :, None, :]
    x_expanded_t = x[:, None, :, :]
    diff = x_expanded - x_expanded_t
    dists = _safe_norm(diff)  # [B, S, S]
    k = min(5, seq_len)
    # torch.topk(largest=False) -> k smallest, ascending order
    neg_top, _ = jax.lax.top_k(-dists, k)
    neighbor_dists = -neg_top  # ascending distances, index 0 is self (0.0)
    max_neighbor = neighbor_dists[:, :, -1]
    min_neighbor = jnp.clip(neighbor_dists[:, :, 1], 1e-06)
    tree_ness = (max_neighbor / min_neighbor)[..., None]
    # torch.var defaults to unbiased (ddof=1)
    cycle_ness = (1.0 / (jnp.var(neighbor_dists, axis=-1, ddof=1) + 1e-06))[..., None]
    flat_ness = (1.0 / (jnp.var(dists, axis=-1, ddof=1) + 1e-06))[..., None]
    features = jnp.concatenate([tree_ness, cycle_ness, flat_ness], axis=-1)
    features = jax.nn.sigmoid(features / 10.0)
    return features

if __name__ == "__main__":
    import jax
    _d = setup_inputs()
    print(jax.jit(kernel)(*tuple(_d.values())))

</pallas_src>

<mosaic_0001>
#map = affine_map<(d0, d1) -> (0, 0)>
#map1 = affine_map<(d0, d1) -> (0)>
module attributes {stable_mosaic.version = 14 : i64} {
  func.func @sc_topk(%arg0: i32, %arg1: i32, %arg2: memref<1024x512xf32, #tpu.memory_space<hbm>>, %arg3: memref<1024xf32, #tpu.memory_space<hbm>>, %arg4: memref<1024xf32, #tpu.memory_space<hbm>>, %arg5: memref<32x512xf32, #tpu.memory_space<vmem>>, %arg6: memref<32xf32, #tpu.memory_space<vmem>>, %arg7: memref<32xf32, #tpu.memory_space<vmem>>) attributes {dimension_semantics = [#tpu.dimension_semantics<core_parallel>, #tpu.dimension_semantics<subcore_parallel>], iteration_bounds = array<i64: 2, 16>, scalar_prefetch = 0 : i64, scratch_operands = 3 : i64, tpu.core_type = #tpu.core_type<sc_vector_subcore>, window_params = [{transform_indices = #map}, {transform_indices = #map1}, {transform_indices = #map1}]} {
    %mul3A = arith.constant 2 : i32
    %mul3A_0 = arith.muli %arg1, %mul3A : i32
    %add3A = arith.addi %mul3A_0, %arg0 : i32
    %mul3A_1 = arith.constant 32 : i32
    %mul3A_2 = arith.muli %add3A, %mul3A_1 : i32
    "tpu.region"() ({
      %run_scoped3A = tpu.sem_alloc : memref<!tpu.dma_semaphore, #tpu.memory_space<semaphore_mem>>
      %dma_start3A = arith.constant 0 : i32
      %dma_start3A_10 = tpu.memref_slice %arg2[%mul3A_2, %dma_start3A] : memref<1024x512xf32, #tpu.memory_space<hbm>> -> memref<32x512xf32, #tpu.memory_space<hbm>>
      %dma_start3A_11 = arith.constant 0 : i32
      %dma_start3A_12 = tpu.memref_slice %arg2[%mul3A_2, %dma_start3A_11] : memref<1024x512xf32, #tpu.memory_space<hbm>> -> memref<32x512xf32, #tpu.memory_space<hbm>>
      tpu.enqueue_dma source(%dma_start3A_12 : memref<32x512xf32, #tpu.memory_space<hbm>>) target(%arg5 : memref<32x512xf32, #tpu.memory_space<vmem>>) target_semaphore(%run_scoped3A : memref<!tpu.dma_semaphore, #tpu.memory_space<semaphore_mem>>)
      %dma_wait3A = arith.constant 0 : i32
      %dma_wait3A_13 = tpu.memref_slice %arg2[%mul3A_2, %dma_wait3A] : memref<1024x512xf32, #tpu.memory_space<hbm>> -> memref<32x512xf32, #tpu.memory_space<hbm>>
      %dma_wait3A_14 = arith.constant 0 : i32
      %dma_wait3A_15 = tpu.memref_slice %arg2[%mul3A_2, %dma_wait3A_14] : memref<1024x512xf32, #tpu.memory_space<hbm>> -> memref<32x512xf32, #tpu.memory_space<hbm>>
      tpu.wait_dma2 semaphore(%run_scoped3A : memref<!tpu.dma_semaphore, #tpu.memory_space<semaphore_mem>>) src(%dma_wait3A_15 : memref<32x512xf32, #tpu.memory_space<hbm>>) dst(%arg5 : memref<32x512xf32, #tpu.memory_space<vmem>>)
      tpu.yield
    }) : () -> ()
    %iota3A = tpu.iota {dimensions = array<i32: 0>} : vector<16xi32>
    %scan3A = arith.constant 0x7F800000 : f32
    %scan3A_3 = arith.constant 0 : i32
    %scan3A_4 = arith.constant 0 : i32
    %scan3A_5 = arith.constant 2 : i32
    %scan3A_6 = arith.addi %scan3A_4, %scan3A_5 : i32
    %scan3A_7 = arith.constant 1 : i32
    %scan3A_8 = scf.for %scan3A_10 = %scan3A_4 to %scan3A_6 step %scan3A_7 iter_args(%scan3A_11 = %scan3A_3) -> (i32)  : i32 {
      %broadcast_in_dim3A = arith.constant 0.000000e+00 : f32
      %broadcast_in_dim3A_12 = vector.broadcast %broadcast_in_dim3A : f32 to vector<16xf32>
      %scan3A_13 = arith.constant 0 : i32
      %scan3A_14 = arith.constant 16 : i32
      %scan3A_15 = arith.addi %scan3A_13, %scan3A_14 : i32
      %scan3A_16 = arith.constant 1 : i32
      %scan3A_17:2 = scf.for %scan3A_49 = %scan3A_13 to %scan3A_15 step %scan3A_16 iter_args(%scan3A_50 = %broadcast_in_dim3A_12, %scan3A_51 = %broadcast_in_dim3A_12) -> (vector<16xf32>, vector<16xf32>)  : i32 {
        %mul3A_52 = arith.constant 16 : i32
        %mul3A_53 = arith.muli %scan3A_10, %mul3A_52 : i32
        %add3A_54 = arith.addi %mul3A_53, %scan3A_49 : i32
        %broadcast_in_dim3A_55 = vector.broadcast %scan3A : f32 to vector<16xf32>
        %scan3A_56 = arith.constant 0 : i32
        %scan3A_57 = arith.constant 32 : i32
        %scan3A_58 = arith.addi %scan3A_56, %scan3A_57 : i32
        %scan3A_59 = arith.constant 1 : i32
        %scan3A_60 = scf.for %scan3A_270 = %scan3A_56 to %scan3A_58 step %scan3A_59 iter_args(%scan3A_271 = %broadcast_in_dim3A_55) -> (vector<16xf32>)  : i32 {
          %mul3A_272 = arith.constant 16 : i32
          %mul3A_273 = arith.muli %scan3A_270, %mul3A_272 : i32
          %get3A = arith.index_cast %add3A_54 : i32 to index
          %get3A_274 = arith.index_cast %mul3A_273 : i32 to index
          %get3A_275 = tpu.vector_load %arg5[%get3A, %get3A_274] {strides = array<i32>} : memref<32x512xf32, #tpu.memory_space<vmem>>, vector<1x16xf32>,
          %get3A_276 = vector.shape_cast %get3A_275 : vector<1x16xf32> to vector<16xf32>
          %min3A_277 = arith.minimumf %scan3A_271, %get3A_276 : vector<16xf32>
          scf.yield %min3A_277 : vector<16xf32>
        }
        %scan3A_61 = arith.constant 32 : i32
        %xor3A = arith.constant 8 : i32
        %xor3A_62 = vector.broadcast %xor3A : i32 to vector<16xi32>
        %xor3A_63 = arith.xori %iota3A, %xor3A_62 : vector<16xi32>
        %broadcast_in_dim3A_64 = vector.shape_cast %xor3A_63 : vector<16xi32> to vector<16x1xi32>
        %gather3A = vector.shape_cast %broadcast_in_dim3A_64 : vector<16x1xi32> to vector<16xi32>
        %gather3A_65 = tpu.dynamic_gather %scan3A_60[%gather3A] in [0] : vector<16xf32>, vector<16xi32> -> vector<16xf32>
        %min3A = arith.minimumf %scan3A_60, %gather3A_65 : vector<16xf32>
        %xor3A_66 = arith.constant 4 : i32
        %xor3A_67 = vector.broadcast %xor3A_66 : i32 to vector<16xi32>
        %xor3A_68 = arith.xori %iota3A, %xor3A_67 : vector<16xi32>
        %broadcast_in_dim3A_69 = vector.shape_cast %xor3A_68 : vector<16xi32> to vector<16x1xi32>
        %gather3A_70 = vector.shape_cast %broadcast_in_dim3A_69 : vector<16x1xi32> to vector<16xi32>
        %gather3A_71 = tpu.dynamic_gather %min3A[%gather3A_70] in [0] : vector<16xf32>, vector<16xi32> -> vector<16xf32>
        %min3A_72 = arith.minimumf %min3A, %gather3A_71 : vector<16xf32>
        %xor3A_73 = arith.constant 2 : i32
        %xor3A_74 = vector.broadcast %xor3A_73 : i32 to vector<16xi32>
        %xor3A_75 = arith.xori %iota3A, %xor3A_74 : vector<16xi32>
        %broadcast_in_dim3A_76 = vector.shape_cast %xor3A_75 : vector<16xi32> to vector<16x1xi32>
        %gather3A_77 = vector.shape_cast %broadcast_in_dim3A_76 : vector<16x1xi32> to vector<16xi32>
        %gather3A_78 = tpu.dynamic_gather %min3A_72[%gather3A_77] in [0] : vector<16xf32>, vector<16xi32> -> vector<16xf32>
        %min3A_79 = arith.minimumf %min3A_72, %gather3A_78 : vector<16xf32>
        %xor3A_80 = arith.constant 1 : i32
        %xor3A_81 = vector.broadcast %xor3A_80 : i32 to vector<16xi32>
        %xor3A_82 = arith.xori %iota3A, %xor3A_81 : vector<16xi32>
        %broadcast_in_dim3A_83 = vector.shape_cast %xor3A_82 : vector<16xi32> to vector<16x1xi32>
        %gather3A_84 = vector.shape_cast %broadcast_in_dim3A_83 : vector<16x1xi32> to vector<16xi32>
        %gather3A_85 = tpu.dynamic_gather %min3A_79[%gather3A_84] in [0] : vector<16xf32>, vector<16xi32> -> vector<16xf32>
        %min3A_86 = arith.minimumf %min3A_79, %gather3A_85 : vector<16xf32>
        %scan3A_87 = arith.constant 0 : i32
        %scan3A_88 = arith.constant 0 : i32
        %scan3A_89 = arith.constant 32 : i32
        %scan3A_90 = arith.addi %scan3A_88, %scan3A_89 : i32
        %scan3A_91 = arith.constant 1 : i32
        %scan3A_92 = scf.for %scan3A_270 = %scan3A_88 to %scan3A_90 step %scan3A_91 iter_args(%scan3A_271 = %scan3A_87) -> (i32)  : i32 {
          %mul3A_272 = arith.constant 16 : i32
          %mul3A_273 = arith.muli %scan3A_270, %mul3A_272 : i32
          %get3A = arith.index_cast %add3A_54 : i32 to index
          %get3A_274 = arith.index_cast %mul3A_273 : i32 to index
          %get3A_275 = tpu.vector_load %arg5[%get3A, %get3A_274] {strides = array<i32>} : memref<32x512xf32, #tpu.memory_space<vmem>>, vector<1x16xf32>,
          %get3A_276 = vector.shape_cast %get3A_275 : vector<1x16xf32> to vector<16xf32>
          %eq3A_277 = arith.cmpf oeq, %get3A_276, %min3A_86 : vector<16xf32>
          %broadcast_in_dim3A_278 = vector.broadcast %scan3A : f32 to vector<16xf32>
          %select_n3A_279 = arith.select %eq3A_277, %broadcast_in_dim3A_278, %get3A_276 : vector<16xi1>, vector<16xf32>
          %mul3A_280 = arith.constant 16 : i32
          %mul3A_281 = arith.muli %scan3A_270, %mul3A_280 : i32
          %swap3A_282 = arith.index_cast %add3A_54 : i32 to index
          %swap3A_283 = arith.index_cast %mul3A_281 : i32 to index
          %swap3A_284 = tpu.vector_load %arg5[%swap3A_282, %swap3A_283] {strides = array<i32>} : memref<32x512xf32, #tpu.memory_space<vmem>>, vector<1x16xf32>,
          %swap3A_285 = vector.shape_cast %swap3A_284 : vector<1x16xf32> to vector<16xf32>
          %swap3A_286 = vector.shape_cast %select_n3A_279 : vector<16xf32> to vector<1x16xf32>
          tpu.vector_store %arg5[%swap3A_282, %swap3A_283], %swap3A_286 {strides = array<i32>} : memref<32x512xf32, #tpu.memory_space<vmem>>, vector<1x16xf32>,
          %scan3A_287 = arith.constant 0 : i32
          scf.yield %scan3A_287 : i32
        }
        %scan3A_93 = arith.constant 32 : i32
        %broadcast_in_dim3A_94 = vector.broadcast %scan3A : f32 to vector<16xf32>
        %scan3A_95 = arith.constant 0 : i32
        %scan3A_96 = arith.constant 32 : i32
        %scan3A_97 = arith.addi %scan3A_95, %scan3A_96 : i32
        %scan3A_98 = arith.constant 1 : i32
        %scan3A_99 = scf.for %scan3A_270 = %scan3A_95 to %scan3A_97 step %scan3A_98 iter_args(%scan3A_271 = %broadcast_in_dim3A_94) -> (vector<16xf32>)  : i32 {
          %mul3A_272 = arith.constant 16 : i32
          %mul3A_273 = arith.muli %scan3A_270, %mul3A_272 : i32
          %get3A = arith.index_cast %add3A_54 : i32 to index
          %get3A_274 = arith.index_cast %mul3A_273 : i32 to index
          %get3A_275 = tpu.vector_load %arg5[%get3A, %get3A_274] {strides = array<i32>} : memref<32x512xf32, #tpu.memory_space<vmem>>, vector<1x16xf32>,
          %get3A_276 = vector.shape_cast %get3A_275 : vector<1x16xf32> to vector<16xf32>
          %min3A_277 = arith.minimumf %scan3A_271, %get3A_276 : vector<16xf32>
          scf.yield %min3A_277 : vector<16xf32>
        }
        %scan3A_100 = arith.constant 32 : i32
        %xor3A_101 = arith.constant 8 : i32
        %xor3A_102 = vector.broadcast %xor3A_101 : i32 to vector<16xi32>
        %xor3A_103 = arith.xori %iota3A, %xor3A_102 : vector<16xi32>
        %broadcast_in_dim3A_104 = vector.shape_cast %xor3A_103 : vector<16xi32> to vector<16x1xi32>
        %gather3A_105 = vector.shape_cast %broadcast_in_dim3A_104 : vector<16x1xi32> to vector<16xi32>
        %gather3A_106 = tpu.dynamic_gather %scan3A_99[%gather3A_105] in [0] : vector<16xf32>, vector<16xi32> -> vector<16xf32>
        %min3A_107 = arith.minimumf %scan3A_99, %gather3A_106 : vector<16xf32>
        %xor3A_108 = arith.constant 4 : i32
        %xor3A_109 = vector.broadcast %xor3A_108 : i32 to vector<16xi32>
        %xor3A_110 = arith.xori %iota3A, %xor3A_109 : vector<16xi32>
        %broadcast_in_dim3A_111 = vector.shape_cast %xor3A_110 : vector<16xi32> to vector<16x1xi32>
        %gather3A_112 = vector.shape_cast %broadcast_in_dim3A_111 : vector<16x1xi32> to vector<16xi32>
        %gather3A_113 = tpu.dynamic_gather %min3A_107[%gather3A_112] in [0] : vector<16xf32>, vector<16xi32> -> vector<16xf32>
        %min3A_114 = arith.minimumf %min3A_107, %gather3A_113 : vector<16xf32>
        %xor3A_115 = arith.constant 2 : i32
        %xor3A_116 = vector.broadcast %xor3A_115 : i32 to vector<16xi32>
        %xor3A_117 = arith.xori %iota3A, %xor3A_116 : vector<16xi32>
        %broadcast_in_dim3A_118 = vector.shape_cast %xor3A_117 : vector<16xi32> to vector<16x1xi32>
        %gather3A_119 = vector.shape_cast %broadcast_in_dim3A_118 : vector<16x1xi32> to vector<16xi32>
        %gather3A_120 = tpu.dynamic_gather %min3A_114[%gather3A_119] in [0] : vector<16xf32>, vector<16xi32> -> vector<16xf32>
        %min3A_121 = arith.minimumf %min3A_114, %gather3A_120 : vector<16xf32>
        %xor3A_122 = arith.constant 1 : i32
        %xor3A_123 = vector.broadcast %xor3A_122 : i32 to vector<16xi32>
        %xor3A_124 = arith.xori %iota3A, %xor3A_123 : vector<16xi32>
        %broadcast_in_dim3A_125 = vector.shape_cast %xor3A_124 : vector<16xi32> to vector<16x1xi32>
        %gather3A_126 = vector.shape_cast %broadcast_in_dim3A_125 : vector<16x1xi32> to vector<16xi32>
        %gather3A_127 = tpu.dynamic_gather %min3A_121[%gather3A_126] in [0] : vector<16xf32>, vector<16xi32> -> vector<16xf32>
        %min3A_128 = arith.minimumf %min3A_121, %gather3A_127 : vector<16xf32>
        %scan3A_129 = arith.constant 0 : i32
        %scan3A_130 = arith.constant 0 : i32
        %scan3A_131 = arith.constant 32 : i32
        %scan3A_132 = arith.addi %scan3A_130, %scan3A_131 : i32
        %scan3A_133 = arith.constant 1 : i32
        %scan3A_134 = scf.for %scan3A_270 = %scan3A_130 to %scan3A_132 step %scan3A_133 iter_args(%scan3A_271 = %scan3A_129) -> (i32)  : i32 {
          %mul3A_272 = arith.constant 16 : i32
          %mul3A_273 = arith.muli %scan3A_270, %mul3A_272 : i32
          %get3A = arith.index_cast %add3A_54 : i32 to index
          %get3A_274 = arith.index_cast %mul3A_273 : i32 to index
          %get3A_275 = tpu.vector_load %arg5[%get3A, %get3A_274] {strides = array<i32>} : memref<32x512xf32, #tpu.memory_space<vmem>>, vector<1x16xf32>,
          %get3A_276 = vector.shape_cast %get3A_275 : vector<1x16xf32> to vector<16xf32>
          %eq3A_277 = arith.cmpf oeq, %get3A_276, %min3A_128 : vector<16xf32>
          %broadcast_in_dim3A_278 = vector.broadcast %scan3A : f32 to vector<16xf32>
          %select_n3A_279 = arith.select %eq3A_277, %broadcast_in_dim3A_278, %get3A_276 : vector<16xi1>, vector<16xf32>
          %mul3A_280 = arith.constant 16 : i32
          %mul3A_281 = arith.muli %scan3A_270, %mul3A_280 : i32
          %swap3A_282 = arith.index_cast %add3A_54 : i32 to index
          %swap3A_283 = arith.index_cast %mul3A_281 : i32 to index
          %swap3A_284 = tpu.vector_load %arg5[%swap3A_282, %swap3A_283] {strides = array<i32>} : memref<32x512xf32, #tpu.memory_space<vmem>>, vector<1x16xf32>,
          %swap3A_285 = vector.shape_cast %swap3A_284 : vector<1x16xf32> to vector<16xf32>
          %swap3A_286 = vector.shape_cast %select_n3A_279 : vector<16xf32> to vector<1x16xf32>
          tpu.vector_store %arg5[%swap3A_282, %swap3A_283], %swap3A_286 {strides = array<i32>} : memref<32x512xf32, #tpu.memory_space<vmem>>, vector<1x16xf32>,
          %scan3A_287 = arith.constant 0 : i32
          scf.yield %scan3A_287 : i32
        }
        %scan3A_135 = arith.constant 32 : i32
        %broadcast_in_dim3A_136 = vector.broadcast %scan3A : f32 to vector<16xf32>
        %scan3A_137 = arith.constant 0 : i32
        %scan3A_138 = arith.constant 32 : i32
        %scan3A_139 = arith.addi %scan3A_137, %scan3A_138 : i32
        %scan3A_140 = arith.constant 1 : i32
        %scan3A_141 = scf.for %scan3A_270 = %scan3A_137 to %scan3A_139 step %scan3A_140 iter_args(%scan3A_271 = %broadcast_in_dim3A_136) -> (vector<16xf32>)  : i32 {
          %mul3A_272 = arith.constant 16 : i32
          %mul3A_273 = arith.muli %scan3A_270, %mul3A_272 : i32
          %get3A = arith.index_cast %add3A_54 : i32 to index
          %get3A_274 = arith.index_cast %mul3A_273 : i32 to index
          %get3A_275 = tpu.vector_load %arg5[%get3A, %get3A_274] {strides = array<i32>} : memref<32x512xf32, #tpu.memory_space<vmem>>, vector<1x16xf32>,
          %get3A_276 = vector.shape_cast %get3A_275 : vector<1x16xf32> to vector<16xf32>
          %min3A_277 = arith.minimumf %scan3A_271, %get3A_276 : vector<16xf32>
          scf.yield %min3A_277 : vector<16xf32>
        }
        %scan3A_142 = arith.constant 32 : i32
        %xor3A_143 = arith.constant 8 : i32
        %xor3A_144 = vector.broadcast %xor3A_143 : i32 to vector<16xi32>
        %xor3A_145 = arith.xori %iota3A, %xor3A_144 : vector<16xi32>
        %broadcast_in_dim3A_146 = vector.shape_cast %xor3A_145 : vector<16xi32> to vector<16x1xi32>
        %gather3A_147 = vector.shape_cast %broadcast_in_dim3A_146 : vector<16x1xi32> to vector<16xi32>
        %gather3A_148 = tpu.dynamic_gather %scan3A_141[%gather3A_147] in [0] : vector<16xf32>, vector<16xi32> -> vector<16xf32>
        %min3A_149 = arith.minimumf %scan3A_141, %gather3A_148 : vector<16xf32>
        %xor3A_150 = arith.constant 4 : i32
        %xor3A_151 = vector.broadcast %xor3A_150 : i32 to vector<16xi32>
        %xor3A_152 = arith.xori %iota3A, %xor3A_151 : vector<16xi32>
        %broadcast_in_dim3A_153 = vector.shape_cast %xor3A_152 : vector<16xi32> to vector<16x1xi32>
        %gather3A_154 = vector.shape_cast %broadcast_in_dim3A_153 : vector<16x1xi32> to vector<16xi32>
        %gather3A_155 = tpu.dynamic_gather %min3A_149[%gather3A_154] in [0] : vector<16xf32>, vector<16xi32> -> vector<16xf32>
        %min3A_156 = arith.minimumf %min3A_149, %gather3A_155 : vector<16xf32>
        %xor3A_157 = arith.constant 2 : i32
        %xor3A_158 = vector.broadcast %xor3A_157 : i32 to vector<16xi32>
        %xor3A_159 = arith.xori %iota3A, %xor3A_158 : vector<16xi32>
        %broadcast_in_dim3A_160 = vector.shape_cast %xor3A_159 : vector<16xi32> to vector<16x1xi32>
        %gather3A_161 = vector.shape_cast %broadcast_in_dim3A_160 : vector<16x1xi32> to vector<16xi32>
        %gather3A_162 = tpu.dynamic_gather %min3A_156[%gather3A_161] in [0] : vector<16xf32>, vector<16xi32> -> vector<16xf32>
        %min3A_163 = arith.minimumf %min3A_156, %gather3A_162 : vector<16xf32>
        %xor3A_164 = arith.constant 1 : i32
        %xor3A_165 = vector.broadcast %xor3A_164 : i32 to vector<16xi32>
        %xor3A_166 = arith.xori %iota3A, %xor3A_165 : vector<16xi32>
        %broadcast_in_dim3A_167 = vector.shape_cast %xor3A_166 : vector<16xi32> to vector<16x1xi32>
        %gather3A_168 = vector.shape_cast %broadcast_in_dim3A_167 : vector<16x1xi32> to vector<16xi32>
        %gather3A_169 = tpu.dynamic_gather %min3A_163[%gather3A_168] in [0] : vector<16xf32>, vector<16xi32> -> vector<16xf32>
        %min3A_170 = arith.minimumf %min3A_163, %gather3A_169 : vector<16xf32>
        %scan3A_171 = arith.constant 0 : i32
        %scan3A_172 = arith.constant 0 : i32
        %scan3A_173 = arith.constant 32 : i32
        %scan3A_174 = arith.addi %scan3A_172, %scan3A_173 : i32
        %scan3A_175 = arith.constant 1 : i32
        %scan3A_176 = scf.for %scan3A_270 = %scan3A_172 to %scan3A_174 step %scan3A_175 iter_args(%scan3A_271 = %scan3A_171) -> (i32)  : i32 {
          %mul3A_272 = arith.constant 16 : i32
          %mul3A_273 = arith.muli %scan3A_270, %mul3A_272 : i32
          %get3A = arith.index_cast %add3A_54 : i32 to index
          %get3A_274 = arith.index_cast %mul3A_273 : i32 to index
          %get3A_275 = tpu.vector_load %arg5[%get3A, %get3A_274] {strides = array<i32>} : memref<32x512xf32, #tpu.memory_space<vmem>>, vector<1x16xf32>,
          %get3A_276 = vector.shape_cast %get3A_275 : vector<1x16xf32> to vector<16xf32>
          %eq3A_277 = arith.cmpf oeq, %get3A_276, %min3A_170 : vector<16xf32>
          %broadcast_in_dim3A_278 = vector.broadcast %scan3A : f32 to vector<16xf32>
          %select_n3A_279 = arith.select %eq3A_277, %broadcast_in_dim3A_278, %get3A_276 : vector<16xi1>, vector<16xf32>
          %mul3A_280 = arith.constant 16 : i32
          %mul3A_281 = arith.muli %scan3A_270, %mul3A_280 : i32
          %swap3A_282 = arith.index_cast %add3A_54 : i32 to index
          %swap3A_283 = arith.index_cast %mul3A_281 : i32 to index
          %swap3A_284 = tpu.vector_load %arg5[%swap3A_282, %swap3A_283] {strides = array<i32>} : memref<32x512xf32, #tpu.memory_space<vmem>>, vector<1x16xf32>,
          %swap3A_285 = vector.shape_cast %swap3A_284 : vector<1x16xf32> to vector<16xf32>
          %swap3A_286 = vector.shape_cast %select_n3A_279 : vector<16xf32> to vector<1x16xf32>
          tpu.vector_store %arg5[%swap3A_282, %swap3A_283], %swap3A_286 {strides = array<i32>} : memref<32x512xf32, #tpu.memory_space<vmem>>, vector<1x16xf32>,
          %scan3A_287 = arith.constant 0 : i32
          scf.yield %scan3A_287 : i32
        }
        %scan3A_177 = arith.constant 32 : i32
        %broadcast_in_dim3A_178 = vector.broadcast %scan3A : f32 to vector<16xf32>
        %scan3A_179 = arith.constant 0 : i32
        %scan3A_180 = arith.constant 32 : i32
        %scan3A_181 = arith.addi %scan3A_179, %scan3A_180 : i32
        %scan3A_182 = arith.constant 1 : i32
        %scan3A_183 = scf.for %scan3A_270 = %scan3A_179 to %scan3A_181 step %scan3A_182 iter_args(%scan3A_271 = %broadcast_in_dim3A_178) -> (vector<16xf32>)  : i32 {
          %mul3A_272 = arith.constant 16 : i32
          %mul3A_273 = arith.muli %scan3A_270, %mul3A_272 : i32
          %get3A = arith.index_cast %add3A_54 : i32 to index
          %get3A_274 = arith.index_cast %mul3A_273 : i32 to index
          %get3A_275 = tpu.vector_load %arg5[%get3A, %get3A_274] {strides = array<i32>} : memref<32x512xf32, #tpu.memory_space<vmem>>, vector<1x16xf32>,
          %get3A_276 = vector.shape_cast %get3A_275 : vector<1x16xf32> to vector<16xf32>
          %min3A_277 = arith.minimumf %scan3A_271, %get3A_276 : vector<16xf32>
          scf.yield %min3A_277 : vector<16xf32>
        }
        %scan3A_184 = arith.constant 32 : i32
        %xor3A_185 = arith.constant 8 : i32
        %xor3A_186 = vector.broadcast %xor3A_185 : i32 to vector<16xi32>
        %xor3A_187 = arith.xori %iota3A, %xor3A_186 : vector<16xi32>
        %broadcast_in_dim3A_188 = vector.shape_cast %xor3A_187 : vector<16xi32> to vector<16x1xi32>
        %gather3A_189 = vector.shape_cast %broadcast_in_dim3A_188 : vector<16x1xi32> to vector<16xi32>
        %gather3A_190 = tpu.dynamic_gather %scan3A_183[%gather3A_189] in [0] : vector<16xf32>, vector<16xi32> -> vector<16xf32>
        %min3A_191 = arith.minimumf %scan3A_183, %gather3A_190 : vector<16xf32>
        %xor3A_192 = arith.constant 4 : i32
        %xor3A_193 = vector.broadcast %xor3A_192 : i32 to vector<16xi32>
        %xor3A_194 = arith.xori %iota3A, %xor3A_193 : vector<16xi32>
        %broadcast_in_dim3A_195 = vector.shape_cast %xor3A_194 : vector<16xi32> to vector<16x1xi32>
        %gather3A_196 = vector.shape_cast %broadcast_in_dim3A_195 : vector<16x1xi32> to vector<16xi32>
        %gather3A_197 = tpu.dynamic_gather %min3A_191[%gather3A_196] in [0] : vector<16xf32>, vector<16xi32> -> vector<16xf32>
        %min3A_198 = arith.minimumf %min3A_191, %gather3A_197 : vector<16xf32>
        %xor3A_199 = arith.constant 2 : i32
        %xor3A_200 = vector.broadcast %xor3A_199 : i32 to vector<16xi32>
        %xor3A_201 = arith.xori %iota3A, %xor3A_200 : vector<16xi32>
        %broadcast_in_dim3A_202 = vector.shape_cast %xor3A_201 : vector<16xi32> to vector<16x1xi32>
        %gather3A_203 = vector.shape_cast %broadcast_in_dim3A_202 : vector<16x1xi32> to vector<16xi32>
        %gather3A_204 = tpu.dynamic_gather %min3A_198[%gather3A_203] in [0] : vector<16xf32>, vector<16xi32> -> vector<16xf32>
        %min3A_205 = arith.minimumf %min3A_198, %gather3A_204 : vector<16xf32>
        %xor3A_206 = arith.constant 1 : i32
        %xor3A_207 = vector.broadcast %xor3A_206 : i32 to vector<16xi32>
        %xor3A_208 = arith.xori %iota3A, %xor3A_207 : vector<16xi32>
        %broadcast_in_dim3A_209 = vector.shape_cast %xor3A_208 : vector<16xi32> to vector<16x1xi32>
        %gather3A_210 = vector.shape_cast %broadcast_in_dim3A_209 : vector<16x1xi32> to vector<16xi32>
        %gather3A_211 = tpu.dynamic_gather %min3A_205[%gather3A_210] in [0] : vector<16xf32>, vector<16xi32> -> vector<16xf32>
        %min3A_212 = arith.minimumf %min3A_205, %gather3A_211 : vector<16xf32>
        %bitcast_convert_type3A = tpu.bitcast %min3A_86 : vector<16xf32> -> vector<16xi32>
        %not3A = arith.constant 511 : i32
        %not3A_213 = arith.constant -1 : i32
        %not3A_214 = arith.xori %not3A, %not3A_213 : i32
        %and3A = vector.broadcast %not3A_214 : i32 to vector<16xi32>
        %and3A_215 = arith.andi %bitcast_convert_type3A, %and3A : vector<16xi32>
        %bitcast_convert_type3A_216 = tpu.bitcast %and3A_215 : vector<16xi32> -> vector<16xf32>
        %bitcast_convert_type3A_217 = tpu.bitcast %min3A_128 : vector<16xf32> -> vector<16xi32>
        %not3A_218 = arith.constant 511 : i32
        %not3A_219 = arith.constant -1 : i32
        %not3A_220 = arith.xori %not3A_218, %not3A_219 : i32
        %and3A_221 = vector.broadcast %not3A_220 : i32 to vector<16xi32>
        %and3A_222 = arith.andi %bitcast_convert_type3A_217, %and3A_221 : vector<16xi32>
        %bitcast_convert_type3A_223 = tpu.bitcast %and3A_222 : vector<16xi32> -> vector<16xf32>
        %bitcast_convert_type3A_224 = tpu.bitcast %min3A_170 : vector<16xf32> -> vector<16xi32>
        %not3A_225 = arith.constant 511 : i32
        %not3A_226 = arith.constant -1 : i32
        %not3A_227 = arith.xori %not3A_225, %not3A_226 : i32
        %and3A_228 = vector.broadcast %not3A_227 : i32 to vector<16xi32>
        %and3A_229 = arith.andi %bitcast_convert_type3A_224, %and3A_228 : vector<16xi32>
        %bitcast_convert_type3A_230 = tpu.bitcast %and3A_229 : vector<16xi32> -> vector<16xf32>
        %bitcast_convert_type3A_231 = tpu.bitcast %min3A_212 : vector<16xf32> -> vector<16xi32>
        %not3A_232 = arith.constant 511 : i32
        %not3A_233 = arith.constant -1 : i32
        %not3A_234 = arith.xori %not3A_232, %not3A_233 : i32
        %and3A_235 = vector.broadcast %not3A_234 : i32 to vector<16xi32>
        %and3A_236 = arith.andi %bitcast_convert_type3A_231, %and3A_235 : vector<16xi32>
        %bitcast_convert_type3A_237 = tpu.bitcast %and3A_236 : vector<16xi32> -> vector<16xf32>
        %max3A = arith.constant 9.99999997E-7 : f32
        %max3A_238 = vector.broadcast %max3A : f32 to vector<16xf32>
        %max3A_239 = arith.maximumf %bitcast_convert_type3A_216, %max3A_238 : vector<16xf32>
        %div3A_240 = arith.divf %bitcast_convert_type3A_237, %max3A_239 : vector<16xf32>
        %add3A_241 = arith.addf %bitcast_convert_type3A_216, %bitcast_convert_type3A_223 : vector<16xf32>
        %add3A_242 = arith.addf %add3A_241, %bitcast_convert_type3A_230 : vector<16xf32>
        %add3A_243 = arith.addf %add3A_242, %bitcast_convert_type3A_237 : vector<16xf32>
        %mul3A_244 = arith.constant 2.000000e-01 : f32
        %mul3A_245 = vector.broadcast %mul3A_244 : f32 to vector<16xf32>
        %mul3A_246 = arith.mulf %add3A_243, %mul3A_245 : vector<16xf32>
        %sub3A = arith.subf %bitcast_convert_type3A_216, %mul3A_246 : vector<16xf32>
        %sub3A_247 = arith.subf %bitcast_convert_type3A_223, %mul3A_246 : vector<16xf32>
        %sub3A_248 = arith.subf %bitcast_convert_type3A_230, %mul3A_246 : vector<16xf32>
        %sub3A_249 = arith.subf %bitcast_convert_type3A_237, %mul3A_246 : vector<16xf32>
        %mul3A_250 = arith.mulf %mul3A_246, %mul3A_246 : vector<16xf32>
        %mul3A_251 = arith.mulf %sub3A, %sub3A : vector<16xf32>
        %add3A_252 = arith.addf %mul3A_250, %mul3A_251 : vector<16xf32>
        %mul3A_253 = arith.mulf %sub3A_247, %sub3A_247 : vector<16xf32>
        %add3A_254 = arith.addf %add3A_252, %mul3A_253 : vector<16xf32>
        %mul3A_255 = arith.mulf %sub3A_248, %sub3A_248 : vector<16xf32>
        %add3A_256 = arith.addf %add3A_254, %mul3A_255 : vector<16xf32>
        %mul3A_257 = arith.mulf %sub3A_249, %sub3A_249 : vector<16xf32>
        %add3A_258 = arith.addf %add3A_256, %mul3A_257 : vector<16xf32>
        %mul3A_259 = arith.constant 2.500000e-01 : f32
        %mul3A_260 = vector.broadcast %mul3A_259 : f32 to vector<16xf32>
        %mul3A_261 = arith.mulf %add3A_258, %mul3A_260 : vector<16xf32>
        %add3A_262 = arith.constant 9.99999997E-7 : f32
        %add3A_263 = vector.broadcast %add3A_262 : f32 to vector<16xf32>
        %add3A_264 = arith.addf %mul3A_261, %add3A_263 : vector<16xf32>
        %div3A_265 = arith.constant 1.000000e+00 : f32
        %div3A_266 = vector.broadcast %div3A_265 : f32 to vector<16xf32>
        %div3A_267 = arith.divf %div3A_266, %add3A_264 : vector<16xf32>
        %eq3A = vector.broadcast %scan3A_49 : i32 to vector<16xi32>
        %eq3A_268 = arith.cmpi eq, %iota3A, %eq3A : vector<16xi32>
        %select_n3A = arith.select %eq3A_268, %div3A_240, %scan3A_50 : vector<16xi1>, vector<16xf32>
        %select_n3A_269 = arith.select %eq3A_268, %div3A_267, %scan3A_51 : vector<16xi1>, vector<16xf32>
        scf.yield %select_n3A, %select_n3A_269 : vector<16xf32>, vector<16xf32>
      }
      %scan3A_18 = arith.constant 16 : i32
      %mul3A_19 = arith.constant -1.000000e-01 : f32
      %mul3A_20 = vector.broadcast %mul3A_19 : f32 to vector<16xf32>
      %mul3A_21 = arith.mulf %scan3A_17#0, %mul3A_20 : vector<16xf32>
      %exp3A = math.exp %mul3A_21 : vector<16xf32>
      %add3A_22 = arith.constant 1.000000e+00 : f32
      %add3A_23 = vector.broadcast %add3A_22 : f32 to vector<16xf32>
      %add3A_24 = arith.addf %add3A_23, %exp3A : vector<16xf32>
      %div3A = arith.constant 1.000000e+00 : f32
      %div3A_25 = vector.broadcast %div3A : f32 to vector<16xf32>
      %div3A_26 = arith.divf %div3A_25, %add3A_24 : vector<16xf32>
      %mul3A_27 = arith.constant 16 : i32
      %mul3A_28 = arith.muli %scan3A_10, %mul3A_27 : i32
      %swap3A = arith.index_cast %mul3A_28 : i32 to index
      %swap3A_29 = tpu.vector_load %arg6[%swap3A] {strides = array<i32>} : memref<32xf32, #tpu.memory_space<vmem>>, vector<16xf32>,
      %swap3A_30 = vector.shape_cast %swap3A_29 : vector<16xf32> to vector<16xf32>
      %swap3A_31 = vector.shape_cast %div3A_26 : vector<16xf32> to vector<16xf32>
      tpu.vector_store %arg6[%swap3A], %swap3A_31 {strides = array<i32>} : memref<32xf32, #tpu.memory_space<vmem>>, vector<16xf32>,
      %mul3A_32 = arith.constant -1.000000e-01 : f32
      %mul3A_33 = vector.broadcast %mul3A_32 : f32 to vector<16xf32>
      %mul3A_34 = arith.mulf %scan3A_17#1, %mul3A_33 : vector<16xf32>
      %exp3A_35 = math.exp %mul3A_34 : vector<16xf32>
      %add3A_36 = arith.constant 1.000000e+00 : f32
      %add3A_37 = vector.broadcast %add3A_36 : f32 to vector<16xf32>
      %add3A_38 = arith.addf %add3A_37, %exp3A_35 : vector<16xf32>
      %div3A_39 = arith.constant 1.000000e+00 : f32
      %div3A_40 = vector.broadcast %div3A_39 : f32 to vector<16xf32>
      %div3A_41 = arith.divf %div3A_40, %add3A_38 : vector<16xf32>
      %mul3A_42 = arith.constant 16 : i32
      %mul3A_43 = arith.muli %scan3A_10, %mul3A_42 : i32
      %swap3A_44 = arith.index_cast %mul3A_43 : i32 to index
      %swap3A_45 = tpu.vector_load %arg7[%swap3A_44] {strides = array<i32>} : memref<32xf32, #tpu.memory_space<vmem>>, vector<16xf32>,
      %swap3A_46 = vector.shape_cast %swap3A_45 : vector<16xf32> to vector<16xf32>
      %swap3A_47 = vector.shape_cast %div3A_41 : vector<16xf32> to vector<16xf32>
      tpu.vector_store %arg7[%swap3A_44], %swap3A_47 {strides = array<i32>} : memref<32xf32, #tpu.memory_space<vmem>>, vector<16xf32>,
      %scan3A_48 = arith.constant 0 : i32
      scf.yield %scan3A_48 : i32
    }
    %scan3A_9 = arith.constant 2 : i32
    "tpu.region"() ({
      %run_scoped3A = tpu.sem_alloc : memref<!tpu.dma_semaphore, #tpu.memory_space<semaphore_mem>>
      %dma_start3A = tpu.memref_slice %arg3[%mul3A_2] : memref<1024xf32, #tpu.memory_space<hbm>> -> memref<32xf32, #tpu.memory_space<hbm>>
      %dma_start3A_10 = tpu.memref_slice %arg3[%mul3A_2] : memref<1024xf32, #tpu.memory_space<hbm>> -> memref<32xf32, #tpu.memory_space<hbm>>
      tpu.enqueue_dma source(%arg6 : memref<32xf32, #tpu.memory_space<vmem>>) target(%dma_start3A_10 : memref<32xf32, #tpu.memory_space<hbm>>) target_semaphore(%run_scoped3A : memref<!tpu.dma_semaphore, #tpu.memory_space<semaphore_mem>>)
      %dma_wait3A = tpu.memref_slice %arg3[%mul3A_2] : memref<1024xf32, #tpu.memory_space<hbm>> -> memref<32xf32, #tpu.memory_space<hbm>>
      %dma_wait3A_11 = tpu.memref_slice %arg3[%mul3A_2] : memref<1024xf32, #tpu.memory_space<hbm>> -> memref<32xf32, #tpu.memory_space<hbm>>
      tpu.wait_dma2 semaphore(%run_scoped3A : memref<!tpu.dma_semaphore, #tpu.memory_space<semaphore_mem>>) src(%arg6 : memref<32xf32, #tpu.memory_space<vmem>>) dst(%dma_wait3A_11 : memref<32xf32, #tpu.memory_space<hbm>>)
      tpu.yield
    }) : () -> ()
    "tpu.region"() ({
      %run_scoped3A = tpu.sem_alloc : memref<!tpu.dma_semaphore, #tpu.memory_space<semaphore_mem>>
      %dma_start3A = tpu.memref_slice %arg4[%mul3A_2] : memref<1024xf32, #tpu.memory_space<hbm>> -> memref<32xf32, #tpu.memory_space<hbm>>
      %dma_start3A_10 = tpu.memref_slice %arg4[%mul3A_2] : memref<1024xf32, #tpu.memory_space<hbm>> -> memref<32xf32, #tpu.memory_space<hbm>>
      tpu.enqueue_dma source(%arg7 : memref<32xf32, #tpu.memory_space<vmem>>) target(%dma_start3A_10 : memref<32xf32, #tpu.memory_space<hbm>>) target_semaphore(%run_scoped3A : memref<!tpu.dma_semaphore, #tpu.memory_space<semaphore_mem>>)
      %dma_wait3A = tpu.memref_slice %arg4[%mul3A_2] : memref<1024xf32, #tpu.memory_space<hbm>> -> memref<32xf32, #tpu.memory_space<hbm>>
      %dma_wait3A_11 = tpu.memref_slice %arg4[%mul3A_2] : memref<1024xf32, #tpu.memory_space<hbm>> -> memref<32xf32, #tpu.memory_space<hbm>>
      tpu.wait_dma2 semaphore(%run_scoped3A : memref<!tpu.dma_semaphore, #tpu.memory_space<semaphore_mem>>) src(%arg7 : memref<32xf32, #tpu.memory_space<vmem>>) dst(%dma_wait3A_11 : memref<32xf32, #tpu.memory_space<hbm>>)
      tpu.yield
    }) : () -> ()
    return
  }
}

module attributes {stable_mosaic.version = 14 : i64} {
  func.func @_dist_keys_body(%arg0: i32, %arg1: memref<1x512x768xf32, #tpu.memory_space<vmem>>, %arg2: memref<1x512x512xf32, #tpu.memory_space<vmem>>, %arg3: memref<1x1x512xf32, #tpu.memory_space<vmem>>) attributes {dimension_semantics = [#tpu.dimension_semantics<arbitrary>], iteration_bounds = array<i64: 2>, scalar_prefetch = 0 : i64, scratch_operands = 0 : i64, tpu.core_type = #tpu.core_type<tc>, window_params = [{transform_indices = @transform_0, window_bounds = array<i64: 1, 512, 768>}, {transform_indices = @transform_1, window_bounds = array<i64: 1, 512, 512>}, {transform_indices = @transform_2, window_bounds = array<i64: 1, 1, 512>}]} {
    %get3A = arith.constant 0 : index
    %get3A_0 = arith.constant 0 : index
    %get3A_1 = arith.constant 0 : index
    %get3A_2 = vector.load %arg1[%get3A, %get3A_0, %get3A_1] : memref<1x512x768xf32, #tpu.memory_space<vmem>>, vector<1x512x768xf32>
    %get3A_3 = vector.shape_cast %get3A_2 : vector<1x512x768xf32> to vector<512x768xf32>
    %dot_general3A = arith.constant dense<0.000000e+00> : vector<512x512xf32>
    %dot_general3A_4 = tpu.matmul %get3A_3, %get3A_3, %dot_general3A {dimension_numbers = #tpu.dot_dimension_numbers<[1], [1], [0], [0], [0, 0, 1, 0], [], []>, transpose_lhs_hint = false} : vector<512x768xf32>, vector<512x768xf32>, vector<512x512xf32> -> vector<512x512xf32>
    %mul3A = arith.mulf %get3A_3, %get3A_3 : vector<512x768xf32>
    %reduce_sum3A = arith.constant dense<0.000000e+00> : vector<512xf32>
    %reduce_sum3A_5 = vector.multi_reduction <add>, %mul3A, %reduce_sum3A [1] : vector<512x768xf32> to vector<512xf32>
    %broadcast_in_dim3A = vector.shape_cast %reduce_sum3A_5 : vector<512xf32> to vector<512x1xf32>
    %broadcast_in_dim3A_6 = vector.shape_cast %reduce_sum3A_5 : vector<512xf32> to vector<1x512xf32>
    %add3A = vector.broadcast %broadcast_in_dim3A : vector<512x1xf32> to vector<512x512xf32>
    %add3A_7 = vector.broadcast %broadcast_in_dim3A_6 : vector<1x512xf32> to vector<512x512xf32>
    %add3A_8 = arith.addf %add3A, %add3A_7 : vector<512x512xf32>
    %mul3A_9 = arith.constant 2.000000e+00 : f32
    %mul3A_10 = vector.broadcast %mul3A_9 : f32 to vector<512x512xf32>
    %mul3A_11 = arith.mulf %mul3A_10, %dot_general3A_4 : vector<512x512xf32>
    %sub3A = arith.subf %add3A_8, %mul3A_11 : vector<512x512xf32>
    %max3A = arith.constant 0.000000e+00 : f32
    %max3A_12 = vector.broadcast %max3A : f32 to vector<512x512xf32>
    %max3A_13 = arith.maximumf %sub3A, %max3A_12 : vector<512x512xf32>
    %sqrt3A = math.sqrt %max3A_13 : vector<512x512xf32>
    %reduce_sum3A_14 = vector.shape_cast %reduce_sum3A_5 : vector<512xf32> to vector<1x512xf32>
    %reduce_sum3A_15 = arith.constant dense<0.000000e+00> : vector<1xf32>
    %reduce_sum3A_16 = vector.multi_reduction <add>, %reduce_sum3A_14, %reduce_sum3A_15 [1] : vector<1x512xf32> to vector<1xf32>
    %reduce_sum3A_17 = vector.shape_cast %reduce_sum3A_16 : vector<1xf32> to vector<1x1xf32>
    %reduce_sum3A_18 = vector.extract %reduce_sum3A_17[0, 0] : f32 from vector<1x1xf32>
    %slice3A = vector.extract_strided_slice %dot_general3A_4 {offsets = [0, 0], sizes = [256, 512], strides = [1, 1]} : vector<512x512xf32> to vector<256x512xf32>
    %slice3A_19 = vector.extract_strided_slice %dot_general3A_4 {offsets = [256, 0], sizes = [256, 512], strides = [1, 1]} : vector<512x512xf32> to vector<256x512xf32>
    %add3A_20 = arith.addf %slice3A, %slice3A_19 : vector<256x512xf32>
    %slice3A_21 = vector.extract_strided_slice %add3A_20 {offsets = [0, 0], sizes = [128, 512], strides = [1, 1]} : vector<256x512xf32> to vector<128x512xf32>
    %slice3A_22 = vector.extract_strided_slice %add3A_20 {offsets = [128, 0], sizes = [128, 512], strides = [1, 1]} : vector<256x512xf32> to vector<128x512xf32>
    %add3A_23 = arith.addf %slice3A_21, %slice3A_22 : vector<128x512xf32>
    %slice3A_24 = vector.extract_strided_slice %add3A_23 {offsets = [0, 0], sizes = [64, 512], strides = [1, 1]} : vector<128x512xf32> to vector<64x512xf32>
    %slice3A_25 = vector.extract_strided_slice %add3A_23 {offsets = [64, 0], sizes = [64, 512], strides = [1, 1]} : vector<128x512xf32> to vector<64x512xf32>
    %add3A_26 = arith.addf %slice3A_24, %slice3A_25 : vector<64x512xf32>
    %slice3A_27 = vector.extract_strided_slice %add3A_26 {offsets = [0, 0], sizes = [32, 512], strides = [1, 1]} : vector<64x512xf32> to vector<32x512xf32>
    %slice3A_28 = vector.extract_strided_slice %add3A_26 {offsets = [32, 0], sizes = [32, 512], strides = [1, 1]} : vector<64x512xf32> to vector<32x512xf32>
    %add3A_29 = arith.addf %slice3A_27, %slice3A_28 : vector<32x512xf32>
    %slice3A_30 = vector.extract_strided_slice %add3A_29 {offsets = [0, 0], sizes = [16, 512], strides = [1, 1]} : vector<32x512xf32> to vector<16x512xf32>
    %slice3A_31 = vector.extract_strided_slice %add3A_29 {offsets = [16, 0], sizes = [16, 512], strides = [1, 1]} : vector<32x512xf32> to vector<16x512xf32>
    %add3A_32 = arith.addf %slice3A_30, %slice3A_31 : vector<16x512xf32>
    %slice3A_33 = vector.extract_strided_slice %add3A_32 {offsets = [0, 0], sizes = [8, 512], strides = [1, 1]} : vector<16x512xf32> to vector<8x512xf32>
    %slice3A_34 = vector.extract_strided_slice %add3A_32 {offsets = [8, 0], sizes = [8, 512], strides = [1, 1]} : vector<16x512xf32> to vector<8x512xf32>
    %add3A_35 = arith.addf %slice3A_33, %slice3A_34 : vector<8x512xf32>
    %reduce_sum3A_36 = arith.constant dense<0.000000e+00> : vector<512xf32>
    %reduce_sum3A_37 = vector.multi_reduction <add>, %add3A_35, %reduce_sum3A_36 [0] : vector<8x512xf32> to vector<512xf32>
    %broadcast_in_dim3A_38 = vector.shape_cast %reduce_sum3A_37 : vector<512xf32> to vector<1x512xf32>
    %slice3A_39 = vector.extract_strided_slice %sqrt3A {offsets = [0, 0], sizes = [256, 512], strides = [1, 1]} : vector<512x512xf32> to vector<256x512xf32>
    %slice3A_40 = vector.extract_strided_slice %sqrt3A {offsets = [256, 0], sizes = [256, 512], strides = [1, 1]} : vector<512x512xf32> to vector<256x512xf32>
    %add3A_41 = arith.addf %slice3A_39, %slice3A_40 : vector<256x512xf32>
    %slice3A_42 = vector.extract_strided_slice %add3A_41 {offsets = [0, 0], sizes = [128, 512], strides = [1, 1]} : vector<256x512xf32> to vector<128x512xf32>
    %slice3A_43 = vector.extract_strided_slice %add3A_41 {offsets = [128, 0], sizes = [128, 512], strides = [1, 1]} : vector<256x512xf32> to vector<128x512xf32>
    %add3A_44 = arith.addf %slice3A_42, %slice3A_43 : vector<128x512xf32>
    %slice3A_45 = vector.extract_strided_slice %add3A_44 {offsets = [0, 0], sizes = [64, 512], strides = [1, 1]} : vector<128x512xf32> to vector<64x512xf32>
    %slice3A_46 = vector.extract_strided_slice %add3A_44 {offsets = [64, 0], sizes = [64, 512], strides = [1, 1]} : vector<128x512xf32> to vector<64x512xf32>
    %add3A_47 = arith.addf %slice3A_45, %slice3A_46 : vector<64x512xf32>
    %slice3A_48 = vector.extract_strided_slice %add3A_47 {offsets = [0, 0], sizes = [32, 512], strides = [1, 1]} : vector<64x512xf32> to vector<32x512xf32>
    %slice3A_49 = vector.extract_strided_slice %add3A_47 {offsets = [32, 0], sizes = [32, 512], strides = [1, 1]} : vector<64x512xf32> to vector<32x512xf32>
    %add3A_50 = arith.addf %slice3A_48, %slice3A_49 : vector<32x512xf32>
    %slice3A_51 = vector.extract_strided_slice %add3A_50 {offsets = [0, 0], sizes = [16, 512], strides = [1, 1]} : vector<32x512xf32> to vector<16x512xf32>
    %slice3A_52 = vector.extract_strided_slice %add3A_50 {offsets = [16, 0], sizes = [16, 512], strides = [1, 1]} : vector<32x512xf32> to vector<16x512xf32>
    %add3A_53 = arith.addf %slice3A_51, %slice3A_52 : vector<16x512xf32>
    %slice3A_54 = vector.extract_strided_slice %add3A_53 {offsets = [0, 0], sizes = [8, 512], strides = [1, 1]} : vector<16x512xf32> to vector<8x512xf32>
    %slice3A_55 = vector.extract_strided_slice %add3A_53 {offsets = [8, 0], sizes = [8, 512], strides = [1, 1]} : vector<16x512xf32> to vector<8x512xf32>
    %add3A_56 = arith.addf %slice3A_54, %slice3A_55 : vector<8x512xf32>
    %reduce_sum3A_57 = arith.constant dense<0.000000e+00> : vector<512xf32>
    %reduce_sum3A_58 = vector.multi_reduction <add>, %add3A_56, %reduce_sum3A_57 [0] : vector<8x512xf32> to vector<512xf32>
    %broadcast_in_dim3A_59 = vector.shape_cast %reduce_sum3A_58 : vector<512xf32> to vector<1x512xf32>
    %broadcast_in_dim3A_60 = vector.shape_cast %reduce_sum3A_5 : vector<512xf32> to vector<1x512xf32>
    %mul3A_61 = arith.constant 5.120000e+02 : f32
    %mul3A_62 = vector.broadcast %mul3A_61 : f32 to vector<1x512xf32>
    %mul3A_63 = arith.mulf %mul3A_62, %broadcast_in_dim3A_60 : vector<1x512xf32>
    %add3A_64 = vector.broadcast %reduce_sum3A_18 : f32 to vector<1x512xf32>
    %add3A_65 = arith.addf %add3A_64, %mul3A_63 : vector<1x512xf32>
    %mul3A_66 = arith.constant 2.000000e+00 : f32
    %mul3A_67 = vector.broadcast %mul3A_66 : f32 to vector<1x512xf32>
    %mul3A_68 = arith.mulf %mul3A_67, %broadcast_in_dim3A_38 : vector<1x512xf32>
    %sub3A_69 = arith.subf %add3A_65, %mul3A_68 : vector<1x512xf32>
    %mul3A_70 = arith.mulf %broadcast_in_dim3A_59, %broadcast_in_dim3A_59 : vector<1x512xf32>
    %mul3A_71 = arith.constant 0.001953125 : f32
    %mul3A_72 = vector.broadcast %mul3A_71 : f32 to vector<1x512xf32>
    %mul3A_73 = arith.mulf %mul3A_70, %mul3A_72 : vector<1x512xf32>
    %sub3A_74 = arith.subf %sub3A_69, %mul3A_73 : vector<1x512xf32>
    %mul3A_75 = arith.constant 0.00195694715 : f32
    %mul3A_76 = vector.broadcast %mul3A_75 : f32 to vector<1x512xf32>
    %mul3A_77 = arith.mulf %sub3A_74, %mul3A_76 : vector<1x512xf32>
    %add3A_78 = arith.constant 9.99999997E-7 : f32
    %add3A_79 = vector.broadcast %add3A_78 : f32 to vector<1x512xf32>
    %add3A_80 = arith.addf %mul3A_77, %add3A_79 : vector<1x512xf32>
    %div3A = arith.constant 1.000000e+00 : f32
    %div3A_81 = vector.broadcast %div3A : f32 to vector<1x512xf32>
    %div3A_82 = arith.divf %div3A_81, %add3A_80 : vector<1x512xf32>
    %mul3A_83 = arith.constant -1.000000e-01 : f32
    %mul3A_84 = vector.broadcast %mul3A_83 : f32 to vector<1x512xf32>
    %mul3A_85 = arith.mulf %div3A_82, %mul3A_84 : vector<1x512xf32>
    %exp3A = math.exp %mul3A_85 : vector<1x512xf32>
    %add3A_86 = arith.constant 1.000000e+00 : f32
    %add3A_87 = vector.broadcast %add3A_86 : f32 to vector<1x512xf32>
    %add3A_88 = arith.addf %add3A_87, %exp3A : vector<1x512xf32>
    %div3A_89 = arith.constant 1.000000e+00 : f32
    %div3A_90 = vector.broadcast %div3A_89 : f32 to vector<1x512xf32>
    %div3A_91 = arith.divf %div3A_90, %add3A_88 : vector<1x512xf32>
    %swap3A = arith.constant 0 : index
    %swap3A_92 = arith.constant 0 : index
    %swap3A_93 = arith.constant 0 : index
    %swap3A_94 = vector.load %arg3[%swap3A, %swap3A_92, %swap3A_93] : memref<1x1x512xf32, #tpu.memory_space<vmem>>, vector<1x1x512xf32>
    %swap3A_95 = vector.shape_cast %swap3A_94 : vector<1x1x512xf32> to vector<1x512xf32>
    %swap3A_96 = vector.shape_cast %div3A_91 : vector<1x512xf32> to vector<1x1x512xf32>
    tpu.vector_store %arg3[%swap3A, %swap3A_92, %swap3A_93], %swap3A_96 {strides = array<i32>} : memref<1x1x512xf32, #tpu.memory_space<vmem>>, vector<1x1x512xf32>,
    %iota3A = tpu.iota {dimensions = array<i32: 0>} : vector<512x512xi32>
    %iota3A_97 = tpu.iota {dimensions = array<i32: 1>} : vector<512x512xi32>
    %eq3A = arith.cmpi eq, %iota3A, %iota3A_97 : vector<512x512xi32>
    %bitcast_convert_type3A = tpu.bitcast %sqrt3A : vector<512x512xf32> -> vector<512x512xi32>
    %not3A = arith.constant 511 : i32
    %not3A_98 = arith.constant -1 : i32
    %not3A_99 = arith.xori %not3A, %not3A_98 : i32
    %and3A = vector.broadcast %not3A_99 : i32 to vector<512x512xi32>
    %and3A_100 = arith.andi %bitcast_convert_type3A, %and3A : vector<512x512xi32>
    %or3A = arith.ori %and3A_100, %iota3A_97 : vector<512x512xi32>
    %bitcast_convert_type3A_101 = tpu.bitcast %or3A : vector<512x512xi32> -> vector<512x512xf32>
    %jit3A = arith.constant 0x7F800000 : f32
    %broadcast_in_dim3A_102 = vector.broadcast %jit3A : f32 to vector<512x512xf32>
    %select_n3A = arith.select %eq3A, %broadcast_in_dim3A_102, %bitcast_convert_type3A_101 : vector<512x512xi1>, vector<512x512xf32>
    %swap3A_103 = arith.constant 0 : index
    %swap3A_104 = arith.constant 0 : index
    %swap3A_105 = arith.constant 0 : index
    %swap3A_106 = vector.load %arg2[%swap3A_103, %swap3A_104, %swap3A_105] : memref<1x512x512xf32, #tpu.memory_space<vmem>>, vector<1x512x512xf32>
    %swap3A_107 = vector.shape_cast %swap3A_106 : vector<1x512x512xf32> to vector<512x512xf32>
    %swap3A_108 = vector.shape_cast %select_n3A : vector<512x512xf32> to vector<1x512x512xf32>
    tpu.vector_store %arg2[%swap3A_103, %swap3A_104, %swap3A_105], %swap3A_108 {strides = array<i32>} : memref<1x512x512xf32, #tpu.memory_space<vmem>>, vector<1x512x512xf32>,
    return
  }
  func.func @transform_0(%arg0: i32) -> (i32, i32, i32) {
    %c0_i32 = arith.constant 0 : i32
    %c0_i32_0 = arith.constant 0 : i32
    %c0_i32_1 = arith.constant 0 : i32
    return %arg0, %c0_i32, %c0_i32_0 : i32, i32, i32
  }
  func.func @transform_1(%arg0: i32) -> (i32, i32, i32) {
    %c0_i32 = arith.constant 0 : i32
    %c0_i32_0 = arith.constant 0 : i32
    %c0_i32_1 = arith.constant 0 : i32
    return %arg0, %c0_i32, %c0_i32_0 : i32, i32, i32
  }
  func.func @transform_2(%arg0: i32) -> (i32, i32, i32) {
    %c0_i32 = arith.constant 0 : i32
    %c0_i32_0 = arith.constant 0 : i32
    %c0_i32_1 = arith.constant 0 : i32
    return %arg0, %c0_i32, %c0_i32_0 : i32, i32, i32
  }
}

</mosaic_0001>

<sc_bundles>
// kernel: kernel.4.cloned.1.call-start
scs
__scs_entry_jumppad:
0x0: {  	(pc) =	sbr.rel $0x88, $3  }
0x1: {  	(tag) =	ssettag $0x0;
	lr =	simm.s32 $0x1  }
0x2: {  	[smem:$0x3FA0] =	sst lr;
	_ =	strace $0xD0000000  }
0x3: {  	_ = 	snop  }
0x4: {  	_ = 	snop  }
0x5: {  	_ = 	snop  }
0x6: {  	_ = 	snop  }
0x7: {  	_ = 	snop  }
__scs_overlays_trampoline_lowered:
0x8: {  	[smem:$0x3FAF] =	sst s0  }
0x9: {  	[smem:$0x3FB0] =	sst s1  }
0xa: {  	[smem:$0x3FB1] =	sst s2  }
0xb: {  	[smem:$0x3FB2] =	sst s3  }
0xc: {  	[smem:$0x3FB3] =	sst s4  }
0xd: {  	[smem:$0x3FB4] =	sst s5  }
0xe: {  	[smem:$0x3FB5] =	sst s6  }
0xf: {  	[smem:$0x3FB6] =	sst s7  }
0x10: {  	[smem:$0x3FB7] =	sst s8  }
0x11: {  	[smem:$0x3FB8] =	sst s9;
	s0 =	simm.s32 @!p0 $0x0  }
0x12: {  	s1 =	sld [smem:$0x3F9E];
	s0 =	simm.s32 @p0 $0x1  }
0x13: {  	[smem:$0x3FB9] =	sst s0;
	s0 =	simm.s32 @!p1 $0x0  }
0x14: {  	s2 =	sld [smem:$0x3F9D];
	s0 =	simm.s32 @p1 $0x1  }
0x15: {  	[smem:$0x3FBA] =	sst s0;
	s0 =	simm.s32 @!p2 $0x0  }
0x16: {  	s3 =	sld [smem:$0x3FDB];
	s0 =	simm.s32 @p2 $0x1  }
0x17: {  	s4 =	simm.s32 $0x1BF5;
	[smem:$0x3FBC] =	sst s0  }
0x18: {  	s0 =	sld [smem:$0x3F9F];
	_ =	swait.ge [sflag:s4], $0x0  }
0x19: {  	s7 =	sld [smem:$0x3FA0]  }
0x1a: {  	s8 =	sadd.s32 $0xFFFFE003, lr  }
0x1b: {  	s9 =	sadd.s32 $0xFFFFFEF7, lr;
	s5 =	simm.s32 $0xFFFFFFFF;
	p2 =	slt.u32 s8, $0xFFFFF086  }
0x1c: {  	p1 =	slt.u32 s9, $0xF7A;
	s5 =	simm.s32 @!p2 $0x0  }
0x1d: {  	s5 =	simm.s32 @p1 $0x1;
	p0 =	seq.s32 s7, s2  }
0x1e: {  	s7 =	smul.u32 @!p0 $0xF7A, s2;
	p2 =	seq.s32 @!p0 s5, $0x0  }
0x1f: {  	s9 =	smul.u32 $0xF7A, s1;
	s8 =	simm.s32 @!p0 $0x1BF5;
	p2 =	por !p2, p0  }
0x20: {  	[sflag:s8] =	ssyncset.s32 @!p0 $0xFFFFF086;
	s6 =	sadd.s32 @!p0 s3, s7;
	s7 =	simm.s32 @!p0 $0x108  }
0x21: {  	s3 =	sadd.s32 s3, s9;
	s6 =	sadd.s32 @!p0 $0x88, s6;
	s7 =	simm.s32 @p2 $0x1082  }
0x22: {  	[simem:s7], [sflag:s8] =	dma.local @!p0 [hbm:s6], $0xF7A  }
0x23: {  	s9 =	sor.u32 $0xD0000000, s2;
	s6 =	simm.s32 $0x108;
	_ =	swait.ge @!p0 [sflag:s8], $0x0  }
0x24: {  	s3 =	sadd.s32 $0x88, s3;
	s6 =	simm.s32 @!p1 $0x1082;
	[sflag:s4] =	ssyncset.s32 $0xFFFFF086  }
0x25: {  	[simem:s6], [sflag:s4] =	dma.local [hbm:s3], $0xF7A  }
0x26: {  	[smem:$0x3FA0] =	sst s1;
	(tag) =	ssettag s2;
	_ =	strace s9  }
0x27: {  	s1 =	sld [smem:$0x3FB0]  }
0x28: {  	s2 =	sld [smem:$0x3FB1]  }
0x29: {  	s4 =	sld [smem:$0x3FB3]  }
0x2a: {  	p0 =	seq.s32 s5, $0x0;
	s5 =	sld [smem:$0x3FB4]  }
0x2b: {  	s6 =	sld [smem:$0x3FB5]  }
0x2c: {  	s7 =	sld [smem:$0x3FB6]  }
0x2d: {  	s3 =	simm.s32 $0x108;
	s8 =	sld [smem:$0x3FB7]  }
0x2e: {  	s3 =	simm.s32 @!p0 $0x1082;
	s9 =	sld [smem:$0x3FB8]  }
0x2f: {  	lr =	sadd.s32 s0, s3;
	s0 =	sld [smem:$0x3FAF]  }
0x30: {  	s3 =	sld [smem:$0x3FB2]  }
0x31: {  	[smem:$0x3FBB] =	sst s10  }
0x32: {  	s10 =	sld [smem:$0x3FB9];
	_ =	sdelay $0x3  }
0x33: {  	p0 =	seq.s32 s10, $0x1;
	s10 =	sld [smem:$0x3FBB];
	_ =	sdelay $0x3  }
0x34: {  	[smem:$0x3FBB] =	sst s10  }
0x35: {  	s10 =	sld [smem:$0x3FBA];
	_ =	sdelay $0x3  }
0x36: {  	p1 =	seq.s32 s10, $0x1;
	s10 =	sld [smem:$0x3FBB];
	_ =	sdelay $0x3  }
0x37: {  	[smem:$0x3FBB] =	sst s10  }
0x38: {  	s10 =	sld [smem:$0x3FBC]  }
0x39: {  	_ = 	snop;
	(pc) =	sbr.ind lr, $3  }
0x3a: {  	_ = 	snop  }
0x3b: {  	_ = 	snop  }
0x3c: {  	p2 =	seq.s32 s10, $0x1;
	s10 =	sld [smem:$0x3FBB]  }
0x3d: {  	_ =	shalt  }
0x3e: {  	_ =	shalt  }
0x3f: {  	_ =	shalt  }
0x40: {  	_ =	shalt  }
0x41: {  	_ =	shalt  }
0x42: {  	_ =	shalt  }
0x43: {  	_ =	shalt  }
0x44: {  	_ =	shalt  }
0x45: {  	_ =	shalt  }
0x46: {  	_ =	shalt  }
0x47: {  	_ =	shalt  }
0x48: {  	_ =	shalt  }
0x49: {  	_ =	shalt  }
0x4a: {  	_ =	shalt  }
0x4b: {  	_ =	shalt  }
0x4c: {  	_ =	shalt  }
0x4d: {  	_ =	shalt  }
0x4e: {  	_ =	shalt  }
0x4f: {  	_ =	shalt  }
0x50: {  	_ =	shalt  }
0x51: {  	_ =	shalt  }
0x52: {  	_ =	shalt  }
0x53: {  	_ =	shalt  }
0x54: {  	_ =	shalt  }
0x55: {  	_ =	shalt  }
0x56: {  	_ =	shalt  }
0x57: {  	_ =	shalt  }
0x58: {  	_ =	shalt  }
0x59: {  	_ =	shalt  }
0x5a: {  	_ =	shalt  }
0x5b: {  	_ =	shalt  }
0x5c: {  	_ =	shalt  }
0x5d: {  	_ =	shalt  }
0x5e: {  	_ =	shalt  }
0x5f: {  	_ =	shalt  }
0x60: {  	_ =	shalt  }
0x61: {  	_ =	shalt  }
0x62: {  	_ =	shalt  }
0x63: {  	_ =	shalt  }
0x64: {  	_ =	shalt  }
0x65: {  	_ =	shalt  }
0x66: {  	_ =	shalt  }
0x67: {  	_ =	shalt  }
0x68: {  	_ =	shalt  }
0x69: {  	_ =	shalt  }
0x6a: {  	_ =	shalt  }
0x6b: {  	_ =	shalt  }
0x6c: {  	_ =	shalt  }
0x6d: {  	_ =	shalt  }
0x6e: {  	_ =	shalt  }
0x6f: {  	_ =	shalt  }
0x70: {  	_ =	shalt  }
0x71: {  	_ =	shalt  }
0x72: {  	_ =	shalt  }
0x73: {  	_ =	shalt  }
0x74: {  	_ =	shalt  }
0x75: {  	_ =	shalt  }
0x76: {  	_ =	shalt  }
0x77: {  	_ =	shalt  }
0x78: {  	_ =	shalt  }
0x79: {  	_ =	shalt  }
0x7a: {  	_ =	shalt  }
0x7b: {  	_ =	shalt  }
0x7c: {  	_ =	shalt  }
0x7d: {  	_ =	shalt  }
0x7e: {  	_ =	shalt  }
0x7f: {  	_ =	shalt  }
0x80: {  	_ =	shalt  }
0x81: {  	_ =	shalt  }
0x82: {  	_ =	shalt  }
0x83: {  	_ =	shalt  }
0x84: {  	_ =	shalt  }
0x85: {  	_ =	shalt  }
0x86: {  	_ =	shalt  }
0x87: {  	_ =	shalt  }
.Lfunc_end0:
.L_simem_size_0:
called_computation_lowered:
.L_overlay_start_0:
0x88: {  	s2 =	sld [smem:$0x3FD9]  }
0x89: {  	s3 =	sld [smem:$0x3FFE];
	_ =	sdelay $0x1  }
0x8a: {  	s1 =	srdreg.scid  }
0x8b: {  	s0 =	sand.u32 $0x1, s1  }
0x8c: {  	s17 =	sshll.u32 s0, $0xA;
	s2 =	sadd.s32 s3, s2  }
0x8d: {  	s2 =	sadd.s32 s2, s17  }
0x8e: {  	[smem:$0x3FC7] =	sst s2  }
0x8f: {  	_ = 	snop  }
0x90: {  	s2 =	sld [smem:$0x3FD0];
	(tm) =	ssettm $0x1  }
0x91: {  	s18 =	sld [smem:$0x3FFB];
	_ =	sdelay $0x3  }
0x92: {  	_ =	strace s18  }
0x93: {  	s3 =	sld [smem:$0x3FFC];
	_ =	sdelay $0x3  }
0x94: {  	_ =	strace s3  }
0x95: {  	s3 =	sld [smem:$0x3FFD];
	_ =	sdelay $0x3  }
0x96: {  	_ =	strace s3  }
0x97: {  	_ =	strace $0x8FFFFFFF  }
0x98: {  	s19 =	sld [smem:$0x3FDB];
	_ =	sdelay $0x1  }
0x99: {  	s4 =	simm.s32 $_scs_section_size  }
0x9a: {  	s5 =	simm.s32 $_size__tile_overlayer_lowered;
	s6 =	simm.s32 $_tile_overlayer_lowered  }
0x9b: {  	s22 =	simm.s32 $0x1BFF;
	s21 =	sshll.u32 s6, $0x1;
	s3 =	sadd.s32 s4, s19  }
0x9c: {  	s7 =	simm.s32 $0x0;
	s20 =	sshll.u32 s5, $0x1;
	s5 =	sadd.s32 s21, s3  }
0x9d: {  	[timem:s7], [sflag:s22] =	dma.local [hbm:s5], s20  }
0x9e: {  	_ =	swait.ge [sflag:s22], s20  }
0x9f: {  	s4 =	ssub.s32 $0x0, s20;
	[sflag:s22] =	ssyncset.done $0x0  }
0xa0: {  	[sflag:s22] =	ssyncadd.s32 s4;
	_ =	sdelay $0x1  }
0xa1: {  	s23 =	simm.s32 $0x1B8B  }
0xa2: {  	_ =	swait.ge [sflag:s23], $0x1  }
0xa3: {  	[sflag:s23] =	ssyncset.done $0x0  }
0xa4: {  	s25 =	simm.s32 $0x1B8E;
	s24 =	sld [smem:$0x3FFE];
	[sflag:s23] =	ssyncadd.s32 $0xFFFFFFFF  }
0xa5: {  	s26 =	simm.s32 $execute0_lowered;
	[smem:$0x3FD2] =	sst s25  }
0xa6: {  	s5 =	sshll.u32 s26, $0x1;
	_ =	strace $0x80000046;
	[dreg:$0x1] =	wrdreg $0xFFFFFFFF  }
0xa7: {  	s28 =	simm.s32 $_size_execute0_lowered;
	s3 =	sadd.s32 s3, s5;
	[dreg:$0x0] =	wrdreg $0x0  }
0xa8: {  	s5 =	sshll.u32 s28, $0x1;
	[dreg:$0x2] =	wrdreg s3  }
0xa9: {  	[dreg:$0x3] =	wrdreg s5  }
0xaa: {  	[dreg:$0x4] =	wrdreg $0xC0  }
0xab: {  	_ =	task [dreg:s7], $0x5FFFF  }
0xac: {  	[dreg:$0x1] =	wrdreg $0xFFFFFFFF  }
0xad: {  	[dreg:$0x0] =	wrdreg $0x60  }
0xae: {  	[dreg:$0x2] =	wrdreg s24  }
0xaf: {  	[dreg:$0x3] =	wrdreg s2  }
0xb0: {  	[dreg:$0x4] =	wrdreg $0x9  }
0xb1: {  	_ =	task.clear_ibuf [dreg:s7], $0x5FFFF;
	_ =	strace $0x90000046  }
0xb2: {  	s29 =	simm.s32 $0x9;
	_ =	strace $0x80000048  }
0xb3: {  	_ =	swait.ge [sflag:s29], $0x1  }
0xb4: {  	[sflag:s29] =	ssyncadd.s32 $0xFFFFFFFF  }
0xb5: {  	_ =	strace $0x90000048  }
0xb6: {  	_ =	sfence  }
0xb7: {  	s30 =	sld [smem:$0x0];
	_ =	sdelay $0x2  }
0xb8: {  	s31 =	sshll.u32 s1, $0xD;
	s1 =	sshrl.u32 s1, $0x2  }
0xb9: {  	s3 =	sand.u32 $0x4000, s31;
	s1 =	sadd.s32 s1, s30  }
0xba: {  	s0 =	sor.u32 s3, s0;
	s1 =	sshll.u32 s1, $0x11  }
0xbb: {  	s0 =	sor.u32 s1, s0  }
0xbc: {  	s0 =	sadd.s32 $0x8F2B, s0  }
0xbd: {  	[sflag:s0] =	ssyncadd.remote.s32 $0x1  }
0xbe: {  	_ =	sfence.sel $0xFFFF  }
0xbf: {  	[dreg:$0x0] =	wrdreg $0xFFFFFFFF;
	(pc) =	sbr.abs _section_cstart, $3  }
0xc0: {  	[dreg:$0x1] =	wrdreg $0xFFFFFFFF  }
0xc1: {  	_ =	task.clear_ibuf [dreg:s7], $0x2FFFF;
	_ =	strace $0x9FFFFFFF  }
0xc2: {  	(tm) =	ssettm $0x7FFFFFFF  }
0xc3: {  	_ =	shalt  }
tec
execute0_lowered:
.L_overlay_start_1:
0x0: {  	(tag) =	ssettag $0x1  }
0x1: {  	v0 =	vimm.s32 $0xFEDCBA98  }
0x2: {  	v1 =	vimm.s32 $0x76543210;
	s3 =	rddreg [dreg:$0x0];
	v2 =	vimm.s32 $0xBA98FEDC;
	v3 =	vimm.s32 $0x32107654  }
0x3: {  	s4 =	rddreg [dreg:$0x1];
	s1 =	simm.s32 $0x0;
	s5 =	srdreg.scid;
	v4 =	vimm.s32 $0xDCFE98BA;
	v5 =	vimm.s32 $0x54761032;
	v6 =	vimm.s32 $0xEFCDAB89  }
0x4: {  	s0 =	rddreg [dreg:$0x2];
	s2 =	stileid.u32;
	v7 =	vimm.s32 $0x67452301;
	s10 =	simm.s32 $0x0;
	v0 =	vunpack.c.l.s4.s8 v0;
	v1 =	vunpack.c.l.s4.s8 v1  }
0x5: {  	s12 =	simm.s32 $0x0;
	[smem:$0x7FF] =	sst s1;
	s5 =	sand.u32 $0x1, s5;
	v2 =	vunpack.c.l.s4.s8 v2;
	v3 =	vunpack.c.l.s4.s8 v3;
	v4 =	vunpack.c.l.s4.s8 v4  }
0x6: {  	s6 =	sshll.u32 s2, $0x6;
	v5 =	vunpack.c.l.s4.s8 v5;
	v6 =	vunpack.c.l.s4.s8 v6;
	v7 =	vunpack.c.l.s4.s8 v7;
	s7 =	sshll.u32 s5, $0x5;
	s5 =	ssub.s32 $0x2, s5  }
0x7: {  	_ =	strace $0x80000047;
	v0 =	vunpack.c.0.s8.s32 v0;
	v1 =	vunpack.c.0.s8.s32 v1;
	s6 =	sor.u32 s7, s6;
	s31 =	sshrl.u32 s5, $0x1;
	v2 =	vunpack.c.0.s8.s32 v2  }
0x8: {  	v3 =	vunpack.c.0.s8.s32 v3;
	v4 =	vunpack.c.0.s8.s32 v4;
	v5 =	vunpack.c.0.s8.s32 v5;
	s7 =	sshll.u32 s6, $0x6;
	s6 =	sshrl.u32 s6, $0x3;
	s9 =	ssub.s32 s5, s31  }
0x9: {  	v6 =	vunpack.c.0.s8.s32 v6;
	v7 =	vunpack.c.0.s8.s32 v7;
	v0 =	vand.u32 $0xF, v0;
	s7 =	sadd.s32 s7, s3;
	s8 =	sadd.s32 s6, s3;
	s4 =	sadd.s32 s4, s6  }
0xa: {  	s6 =	smax.u32 s9, $0x1;
	s9 =	simm.s32 $0x4080;
	s3 =	sadd.s32 $0xE00, s7;
	v0 =	vcombine.low v0, v1;
	v1 =	vcombine.low v3, v2  }
0xb: {  	s5 =	sadd.s32 $0x10E00, s8;
	s7 =	simm.s32 $0x1;
	v2 =	vcombine.low v5, v4;
	v3 =	vcombine.low v7, v6;
	v4 =	vlaneseq.u32;
	s8 =	simm.s32 $0x4000  }
.LBB2_1:
0xc: {  	[tilespmem:s1], [sflag:$0x1] =	stream.linear.gather [hbm4b:s3+s1], $0x4000, $0x38;
	[tilespmem:$0x4100] =	vst v63  }
0xd: {  	_ =	swait.ge [sflag:s7], $0x4000  }
0xe: {  	[sflag:s7] =	ssyncset.done $0x0  }
0xf: {  	p1 =	por $0x1, $0x1;
	s11 =	simm.s32 $0x0;
	[sflag:s7] =	ssyncadd.s32 $0xFFFFC000  }
.LBB2_2:
0x10: {  	p0 =	por p1, p1;
	v5 =	vimm.f32 $0.0e+00;
	v6 =	vimm.f32 $0.0e+00;
	s13 =	simm.s32 $0x0  }
.LBB2_3:
0x11: {  	s14 =	sadd.s32 s11, s13  }
0x12: {  	s15 =	sshll.u32 s13, $0x7;
	s14 =	sshll.u32 s14, $0x9  }
0x13: {  	s15 =	sand.u32 $0x380, s15;
	s14 =	sand.u32 $0x3000, s14  }
0x14: {  	s31 =	sand.u32 $0xC00, s12;
	s14 =	sor.u32 s15, s14  }
0x15: {  	s16 =	sand.u32 $0x70, s12;
	s15 =	sadd.s32 s31, s14  }
0x16: {  	s16 =	sadd.s32 s16, s15  }
0x17: {  	v8 =	vld [tilespmem:s16+$0x0]  }
0x18: {  	v7 =	vimm.f32 $+Inf;
	s15 =	simm.s32 $0x10;
	s16 =	simm.s32 $0x80  }
.LBB2_4:
0x19: {  	s17 =	sand.u32 $0xC00, s16  }
0x1a: {  	p1 =	sne.s32 s15, $0x1F0;
	s18 =	smov.u32 s15;
	s15 =	sadd.s32 $0x10, s15  }
.Ltmp0:
0x1b: {  	s18 =	sand.u32 $0x70, s18;
	s17 =	sadd.s32 s17, s14;
	(pc) =	sbr.rel @p1 .LBB2_4-.Ltmp0, $3  }
0x1c: {  	s17 =	sadd.s32 s18, s17;
	v7 =	vmin.f32 v7, v8  }
0x1d: {  	v8 =	vld [tilespmem:s17+$0x0];
	_ =	sdelay $0x1  }
0x1e: {  	s16 =	sadd.s32 $0x80, s16  }
0x1f: {  	_ =	sdelay $0x1  }
0x20: {  	v7 =	vmin.f32 v7, v8  }
0x21: {  	v8 =	vperm.xlane v7, v0;
	_ =	sdelay $0x1  }
0x22: {  	v7 =	vmin.f32 v7, v8  }
0x23: {  	s15 =	simm.s32 $0x0;
	v8 =	vperm.xlane v7, v1  }
0x24: {  	s17 =	sand.u32 $0xC00, s15  }
0x25: {  	s16 =	sand.u32 $0x70, s15;
	s17 =	sadd.s32 s17, s14;
	v7 =	vmin.f32 v7, v8  }
0x26: {  	s18 =	sadd.s32 s16, s17;
	v9 =	vperm.xlane v7, v2  }
0x27: {  	v8 =	vld [tilespmem:s18+$0x0]  }
0x28: {  	v7 =	vmin.f32 v7, v9  }
0x29: {  	v9 =	vperm.xlane v7, v3;
	_ =	sdelay $0x1  }
0x2a: {  	s19 =	simm.s32 $0x80;
	s20 =	simm.s32 $0x20;
	v7 =	vmin.f32 v7, v9  }
0x2b: {  	s21 =	simm.s32 $0x10;
	s15 =	simm.s32 $0x10;
	s22 =	sand.u32 $0xC00, s19;
	vm0 =	veq.f32 v8, v7  }
.LBB2_6:
0x2c: {  	p1 =	sne.s32 s20, $0x1F0;
	s21 =	sand.u32 $0x70, s21;
	s22 =	sadd.s32 s22, s14;
	v8 =	vsel vm0, $0x7F800000, v8  }
0x2d: {  	[tilespmem:s18+$0x0] =	vst v8;
	s18 =	sadd.s32 s21, s22;
	s21 =	smov.u32 s20  }
0x2e: {  	v8 =	vld [tilespmem:s18+$0x0]  }
.Ltmp1:
0x2f: {  	(pc) =	sbr.rel @p1 .LBB2_6-.Ltmp1, $3  }
0x30: {  	_ =	sdelay $0x1  }
0x31: {  	s19 =	sadd.s32 $0x80, s19  }
0x32: {  	s22 =	sand.u32 $0xC00, s19;
	s20 =	sadd.s32 $0x10, s20;
	vm0 =	veq.f32 v8, v7  }
0x33: {  	s19 =	sand.u32 $0x70, s21;
	s20 =	sadd.s32 s22, s14;
	v8 =	vsel vm0, $0x7F800000, v8  }
0x34: {  	s19 =	sadd.s32 s19, s20;
	[tilespmem:s18+$0x0] =	vst v8  }
0x35: {  	v8 =	vld [tilespmem:s19+$0x0];
	_ =	sdelay $0x4  }
0x36: {  	vm15 =	veq.f32 v8, v7  }
0x37: {  	v8 =	vsel vm15, $0x7F800000, v8  }
0x38: {  	s16 =	sadd.s32 s16, s17;
	[tilespmem:s19+$0x0] =	vst v8  }
0x39: {  	v9 =	vld [tilespmem:s16+$0x0]  }
0x3a: {  	v8 =	vimm.f32 $+Inf;
	s16 =	simm.s32 $0x80  }
.LBB2_8:
0x3b: {  	s17 =	sand.u32 $0xC00, s16  }
0x3c: {  	p1 =	sne.s32 s15, $0x1F0;
	s18 =	smov.u32 s15;
	s15 =	sadd.s32 $0x10, s15  }
.Ltmp2:
0x3d: {  	s18 =	sand.u32 $0x70, s18;
	s17 =	sadd.s32 s17, s14;
	(pc) =	sbr.rel @p1 .LBB2_8-.Ltmp2, $3  }
0x3e: {  	s17 =	sadd.s32 s18, s17;
	v8 =	vmin.f32 v8, v9  }
0x3f: {  	v9 =	vld [tilespmem:s17+$0x0];
	_ =	sdelay $0x1  }
0x40: {  	s16 =	sadd.s32 $0x80, s16  }
0x41: {  	_ =	sdelay $0x1  }
0x42: {  	v8 =	vmin.f32 v8, v9  }
0x43: {  	v9 =	vperm.xlane v8, v0;
	_ =	sdelay $0x1  }
0x44: {  	v8 =	vmin.f32 v8, v9  }
0x45: {  	s15 =	simm.s32 $0x0;
	v9 =	vperm.xlane v8, v1  }
0x46: {  	s17 =	sand.u32 $0xC00, s15  }
0x47: {  	s16 =	sand.u32 $0x70, s15;
	s17 =	sadd.s32 s17, s14;
	v8 =	vmin.f32 v8, v9  }
0x48: {  	s18 =	sadd.s32 s16, s17;
	v10 =	vperm.xlane v8, v2  }
0x49: {  	v9 =	vld [tilespmem:s18+$0x0]  }
0x4a: {  	v8 =	vmin.f32 v8, v10  }
0x4b: {  	v10 =	vperm.xlane v8, v3;
	_ =	sdelay $0x1  }
0x4c: {  	s19 =	simm.s32 $0x80;
	s20 =	simm.s32 $0x20;
	v8 =	vmin.f32 v8, v10  }
0x4d: {  	s21 =	simm.s32 $0x10;
	s15 =	simm.s32 $0x10;
	s22 =	sand.u32 $0xC00, s19;
	vm0 =	veq.f32 v9, v8  }
.LBB2_10:
0x4e: {  	p1 =	sne.s32 s20, $0x1F0;
	s21 =	sand.u32 $0x70, s21;
	s22 =	sadd.s32 s22, s14;
	v9 =	vsel vm0, $0x7F800000, v9  }
0x4f: {  	[tilespmem:s18+$0x0] =	vst v9;
	s18 =	sadd.s32 s21, s22;
	s21 =	smov.u32 s20  }
0x50: {  	v9 =	vld [tilespmem:s18+$0x0]  }
.Ltmp3:
0x51: {  	(pc) =	sbr.rel @p1 .LBB2_10-.Ltmp3, $3  }
0x52: {  	_ =	sdelay $0x1  }
0x53: {  	s19 =	sadd.s32 $0x80, s19  }
0x54: {  	s22 =	sand.u32 $0xC00, s19;
	s20 =	sadd.s32 $0x10, s20;
	vm0 =	veq.f32 v9, v8  }
0x55: {  	s19 =	sand.u32 $0x70, s21;
	s20 =	sadd.s32 s22, s14;
	v9 =	vsel vm0, $0x7F800000, v9  }
0x56: {  	s19 =	sadd.s32 s19, s20;
	[tilespmem:s18+$0x0] =	vst v9  }
0x57: {  	v9 =	vld [tilespmem:s19+$0x0];
	_ =	sdelay $0x4  }
0x58: {  	vm15 =	veq.f32 v9, v8  }
0x59: {  	v9 =	vsel vm15, $0x7F800000, v9  }
0x5a: {  	s16 =	sadd.s32 s16, s17;
	[tilespmem:s19+$0x0] =	vst v9  }
0x5b: {  	v10 =	vld [tilespmem:s16+$0x0]  }
0x5c: {  	v9 =	vimm.f32 $+Inf;
	s16 =	simm.s32 $0x80  }
.LBB2_12:
0x5d: {  	s17 =	sand.u32 $0xC00, s16  }
0x5e: {  	p1 =	sne.s32 s15, $0x1F0;
	s18 =	smov.u32 s15;
	s15 =	sadd.s32 $0x10, s15  }
.Ltmp4:
0x5f: {  	s18 =	sand.u32 $0x70, s18;
	s17 =	sadd.s32 s17, s14;
	(pc) =	sbr.rel @p1 .LBB2_12-.Ltmp4, $3  }
0x60: {  	s17 =	sadd.s32 s18, s17;
	v9 =	vmin.f32 v9, v10  }
0x61: {  	v10 =	vld [tilespmem:s17+$0x0];
	_ =	sdelay $0x1  }
0x62: {  	s16 =	sadd.s32 $0x80, s16  }
0x63: {  	_ =	sdelay $0x1  }
0x64: {  	v9 =	vmin.f32 v9, v10  }
0x65: {  	v10 =	vperm.xlane v9, v0;
	_ =	sdelay $0x1  }
0x66: {  	v9 =	vmin.f32 v9, v10  }
0x67: {  	s15 =	simm.s32 $0x0;
	v10 =	vperm.xlane v9, v1  }
0x68: {  	s17 =	sand.u32 $0xC00, s15  }
0x69: {  	s16 =	sand.u32 $0x70, s15;
	s17 =	sadd.s32 s17, s14;
	v9 =	vmin.f32 v9, v10  }
0x6a: {  	s18 =	sadd.s32 s16, s17;
	v11 =	vperm.xlane v9, v2  }
0x6b: {  	v10 =	vld [tilespmem:s18+$0x0]  }
0x6c: {  	v9 =	vmin.f32 v9, v11  }
0x6d: {  	v11 =	vperm.xlane v9, v3;
	_ =	sdelay $0x1  }
0x6e: {  	s19 =	simm.s32 $0x80;
	s20 =	simm.s32 $0x20;
	v9 =	vmin.f32 v9, v11  }
0x6f: {  	s21 =	simm.s32 $0x10;
	s15 =	simm.s32 $0x10;
	s22 =	sand.u32 $0xC00, s19;
	vm0 =	veq.f32 v10, v9  }
.LBB2_14:
0x70: {  	p1 =	sne.s32 s20, $0x1F0;
	s21 =	sand.u32 $0x70, s21;
	s22 =	sadd.s32 s22, s14;
	v10 =	vsel vm0, $0x7F800000, v10  }
0x71: {  	[tilespmem:s18+$0x0] =	vst v10;
	s18 =	sadd.s32 s21, s22;
	s21 =	smov.u32 s20  }
0x72: {  	v10 =	vld [tilespmem:s18+$0x0]  }
.Ltmp5:
0x73: {  	(pc) =	sbr.rel @p1 .LBB2_14-.Ltmp5, $3  }
0x74: {  	_ =	sdelay $0x1  }
0x75: {  	s19 =	sadd.s32 $0x80, s19  }
0x76: {  	s22 =	sand.u32 $0xC00, s19;
	s20 =	sadd.s32 $0x10, s20;
	vm0 =	veq.f32 v10, v9  }
0x77: {  	s19 =	sand.u32 $0x70, s21;
	s20 =	sadd.s32 s22, s14;
	v10 =	vsel vm0, $0x7F800000, v10  }
0x78: {  	s19 =	sadd.s32 s19, s20;
	[tilespmem:s18+$0x0] =	vst v10  }
0x79: {  	v10 =	vld [tilespmem:s19+$0x0];
	_ =	sdelay $0x4  }
0x7a: {  	vm15 =	veq.f32 v10, v9  }
0x7b: {  	v10 =	vsel vm15, $0x7F800000, v10  }
0x7c: {  	s16 =	sadd.s32 s16, s17;
	[tilespmem:s19+$0x0] =	vst v10  }
0x7d: {  	v11 =	vld [tilespmem:s16+$0x0]  }
0x7e: {  	v10 =	vimm.f32 $+Inf;
	s16 =	simm.s32 $0x80  }
.LBB2_16:
0x7f: {  	s17 =	sand.u32 $0xC00, s16  }
0x80: {  	p1 =	sne.s32 s15, $0x1F0;
	s18 =	smov.u32 s15;
	s15 =	sadd.s32 $0x10, s15  }
.Ltmp6:
0x81: {  	s18 =	sand.u32 $0x70, s18;
	s17 =	sadd.s32 s17, s14;
	(pc) =	sbr.rel @p1 .LBB2_16-.Ltmp6, $3  }
0x82: {  	s17 =	sadd.s32 s18, s17;
	v10 =	vmin.f32 v10, v11  }
0x83: {  	v11 =	vld [tilespmem:s17+$0x0];
	_ =	sdelay $0x1  }
0x84: {  	s16 =	sadd.s32 $0x80, s16  }
0x85: {  	_ =	sdelay $0x1  }
0x86: {  	v10 =	vmin.f32 v10, v11  }
0x87: {  	v11 =	vperm.xlane v10, v0;
	_ =	sdelay $0x1  }
0x88: {  	v10 =	vmin.f32 v10, v11  }
0x89: {  	v11 =	vperm.xlane v10, v1;
	_ =	sdelay $0x1  }
0x8a: {  	v10 =	vmin.f32 v10, v11  }
0x8b: {  	v11 =	vperm.xlane v10, v2;
	_ =	sdelay $0x1  }
0x8c: {  	v7 =	vand.u32 $0xFFFFFE00, v7;
	v8 =	vand.u32 $0xFFFFFE00, v8;
	v10 =	vmin.f32 v10, v11  }
0x8d: {  	v12 =	vadd.f32 v8, v7;
	v11 =	vperm.xlane v10, v3  }
0x8e: {  	v9 =	vand.u32 $0xFFFFFE00, v9  }
0x8f: {  	v60 =	vadd.f32 v9, v12;
	v10 =	vmin.f32 v10, v11  }
0x90: {  	v10 =	vand.u32 $0xFFFFFE00, v10  }
0x91: {  	v11 =	vadd.f32 v10, v60;
	_ =	sdelay $0x1  }
0x92: {  	v11 =	vmul.f32 $2.000000030e-01, v11;
	_ =	sdelay $0x1  }
0x93: {  	v61 =	vsub.f32 v7, v11;
	_ =	sdelay $0x1  }
0x94: {  	v8 =	vsub.f32 v8, v11;
	v13 =	vmul.f32 v11, v11;
	v12 =	vmul.f32 v61, v61;
	_ =	sdelay $0x1  }
0x95: {  	v9 =	vsub.f32 v9, v11;
	v8 =	vmul.f32 v8, v8;
	v12 =	vadd.f32 v12, v13;
	_ =	sdelay $0x1  }
0x96: {  	v11 =	vsub.f32 v10, v11;
	v9 =	vmul.f32 v9, v9;
	v8 =	vadd.f32 v12, v8;
	_ =	sdelay $0x1  }
0x97: {  	v62 =	vmul.f32 v11, v11;
	v8 =	vadd.f32 v8, v9;
	_ =	sdelay $0x1  }
0x98: {  	v8 =	vadd.f32 v8, v62;
	_ =	sdelay $0x1  }
0x99: {  	v8 =	vmul.f32 $2.500000000e-01, v8  }
0x9a: {  	v7 =	vmax.f32 v7, $9.999999970e-07  }
0x9b: {  	(erf) = vrcp.f32 v7;
	v7 =	vadd.f32 $9.999999970e-07, v8;
	_ =	sdelay $0x1  }
0x9c: {  	(erf) = vrcp.f32 v7;
	_ =	sdelay $0x3  }
0x9d: {  	v8 =	vmov s13;
	s13 =	sadd.s32 $0x1, s13  }
0x9e: {  	p1 =	sne.s32 s13, $0x10  }
.Ltmp7:
0x9f: {  	_ = 	snop;
	(pc) =	sbr.rel @p1 .LBB2_3-.Ltmp7, $4  }
0xa0: {  	v7 =	vpop (erf)  }
0xa1: {  	v7 =	vmul.f32 v10, v7  }
0xa2: {  	vm0 =	veq.s32 v8, v4;
	v63 =	vpop (erf)  }
0xa3: {  	v6 =	vsel vm0, v7, v6;
	v5 =	vsel vm0, v63, v5  }
0xa4: {  	v6 =	vmul.f32 $-1.000000010e-01, v6;
	_ =	sdelay $0x1  }
0xa5: {  	v6 =	vmul.f32 $1.442695020e+00, v6;
	_ =	sdelay $0x1  }
0xa6: {  	(erf) = vpow2.f32 v6;
	_ =	sdelay $0x8  }
0xa7: {  	v5 =	vmul.f32 $-1.000000010e-01, v5;
	v6 =	vpop (erf)  }
0xa8: {  	v6 =	vadd.f32 $1.000000000e+00, v6  }
0xa9: {  	v5 =	vmul.f32 $1.442695020e+00, v5  }
0xaa: {  	(erf) = vrcp.f32 v6  }
0xab: {  	(erf) = vpow2.f32 v5;
	_ =	sdelay $0x7  }
0xac: {  	v5 =	vpop (erf)  }
0xad: {  	v6 =	vpop (erf)  }
0xae: {  	v6 =	vadd.f32 $1.000000000e+00, v6;
	_ =	sdelay $0x1  }
0xaf: {  	(erf) = vrcp.f32 v6;
	_ =	sdelay $0x5  }
.Ltmp8:
0xb0: {  	_ = 	snop;
	(pc) =	sbr.rel @p0 .LBB2_2-.Ltmp8, $3  }
0xb1: {  	_ =	sdelay $0x1  }
0xb2: {  	[tilespmem:s11+$0x4000] =	vst v5;
	v5 =	vpop (erf)  }
0xb3: {  	p1 =	por $0x0, $0x0;
	[tilespmem:s11+$0x4080] =	vst v5;
	s11 =	simm.s32 $0x10  }
0xb4: {  	[hbm4b:s4+s1] =	stream.linear.scatter [tilespmem:s8], [sflag:$0x1], $0x20, $0x38;
	[tilespmem:$0x4100] =	vst v63  }
0xb5: {  	s10 =	sadd.s32 $0x1, s10;
	_ =	swait.ge [sflag:s7], $0x20  }
0xb6: {  	p0 =	sne.s32 s10, s6;
	[sflag:s7] =	ssyncset.done $0x0  }
.Ltmp9:
0xb7: {  	[sflag:s7] =	ssyncadd.s32 $0xFFFFFFE0;
	(pc) =	sbr.rel @p0 .LBB2_1-.Ltmp9, $4  }
0xb8: {  	[hbm4b:s5+s1] =	stream.linear.scatter [tilespmem:s9], [sflag:$0x1], $0x20, $0x38;
	[tilespmem:$0x4100] =	vst v63  }
0xb9: {  	_ =	swait.ge [sflag:s7], $0x20  }
0xba: {  	[sflag:s7] =	ssyncset.done $0x0  }
0xbb: {  	[sflag:s7] =	ssyncadd.s32 $0xFFFFFFE0  }
0xbc: {  	_ =	sfence.sel $0x180000  }
0xbd: {  	[bflag:$0x0] =	sbarrier.arrive $0xFFFF  }
0xbe: {  	p0 =	sne.s32 s2, $0x0;
	_ =	strace $0x90000047  }
0xbf: {  	s0 =	sadd.s32 @!p0 $0x100000, s0;
	[bflag:$0x2] =	sbarrier.arrive $0xFFFF  }
0xc0: {  	[sflag:s0] =	ssyncadd.tile.s32 @!p0 $0x1;
	_ =	shalt  }
.Lfunc_end2:
_tile_overlayer_lowered:
.L_overlay_start_2:
0xc1: {  	(tag) =	ssettag $0x2  }
0xc2: {  	s0 =	rddreg [dreg:$0x0];
	s2 =	stileid.u32  }
0xc3: {  	s1 =	rddreg [dreg:$0x1];
	p0 =	sne.s32 s2, $0x0  }
0xc4: {  	s3 =	rddreg [dreg:$0x2];
	[bflag:$0x3] =	sbarrier.arrive $0xFFFF;
	s2 =	simm.s32 @!p0 $0x1C01  }
0xc5: {  	[timem:s3], [sflag:s2] =	dma.local @!p0 [hbm:s0], s1  }
0xc6: {  	s0 =	simm.s32 @!p0 $0x1  }
0xc7: {  	_ =	swait.ge @!p0 [sflag:s0], s1  }
0xc8: {  	s1 =	ssub.s32 @!p0 $0x0, s1;
	[sflag:s0] =	ssyncset.done @!p0 $0x0  }
0xc9: {  	[sflag:s0] =	ssyncadd.s32 @!p0 s1  }
0xca: {  	[bflag:$0x3] =	sbarrier.arrive $0xFFFF  }
0xcb: {  	_ =	shalt  }

</sc_bundles>
